<compile_context>
chip_gen: v7x
topology: tpu7x:2x2x1
jax: 0.10.2.dev20260603
libtpu: 0.0.44.dev20260713+nightly
codegen_flags: <defaults>
</compile_context>

<pallas_src>
import functools

import jax
import jax.numpy as jnp
from jax import lax
from jax.experimental import pallas as pl
from jax.experimental.pallas import tpu as pltpu
from jax.experimental.pallas import tpu_sc as plsc

OUT_DIM = 32
IN_DIM = 128

_PROJ_BLK = 8000


def _proj_body(t0, t1, t2, t3, w_ref, o_ref):
    dn = (((1,), (1,)), ((), ()))
    o_ref[...] = jnp.concatenate(
        [lax.dot_general(t[...], w_ref[...], dimension_numbers=dn,
                         preferred_element_type=jnp.float32)
         for t in (t0, t1, t2, t3)],
        axis=1)


def _project(table, W):
    V, D = table.shape
    O = W.shape[0]
    pack = 128 // O
    Q = V // pack
    blk = 2000
    nblk = Q // blk

    def tspec(q):
        return pl.BlockSpec((blk, D), lambda i, q=q: (i + q * nblk, 0))

    packed = pl.pallas_call(
        _proj_body,
        grid=(nblk,),
        in_specs=[tspec(0), tspec(1), tspec(2), tspec(3),
                  pl.BlockSpec((O, D), lambda i: (0, 0))],
        out_specs=pl.BlockSpec((blk, O * pack), lambda i: (i, 0)),
        out_shape=jax.ShapeDtypeStruct((Q, O * pack), jnp.float32),
    )(table, table, table, table, W)
    return packed.reshape(V, O)


_NC = 2
_NS = 16
_NW = _NC * _NS
_K = 16


def _make_gather(B, L, O):
    assert B % (_NW * _K) == 0
    xrows_pw = B // _NW
    n_groups = xrows_pw // _K

    mesh = plsc.VectorSubcoreMesh(
        core_axis_name="c", subcore_axis_name="s",
        num_cores=_NC, num_subcores=_NS)

    @functools.partial(
        pl.kernel,
        out_type=jax.ShapeDtypeStruct((B, L, O), jnp.float32),
        mesh=mesh,
        scratch_types=[
            pltpu.VMEM((xrows_pw, L), jnp.int32),
            pltpu.VMEM((2, _K, L, O), jnp.float32),
            pltpu.SemaphoreType.DMA,
            pltpu.SemaphoreType.DMA,
        ],
        compiler_params=pltpu.CompilerParams(use_tc_tiling_on_sc=False),
    )
    def gather_k(x_hbm, small_hbm, out_hbm, idx_v, rows_v, gsem, osem):
        wid = lax.axis_index("s") * _NC + lax.axis_index("c")
        base = wid * xrows_pw
        pltpu.sync_copy(x_hbm.at[pl.ds(base, xrows_pw)], idx_v)

        def fire_gathers(g):
            buf = rows_v.at[lax.rem(g, 2)]
            for j in range(_K):
                pltpu.async_copy(
                    small_hbm.at[idx_v.at[g * _K + j]],
                    buf.at[j],
                    gsem)

        def drain_gathers(g):
            pltpu.make_async_copy(
                out_hbm.at[pl.ds(0, _K)],
                rows_v.at[lax.rem(g, 2)],
                gsem).wait()

        def start_out_copy(g):
            pltpu.async_copy(
                rows_v.at[lax.rem(g, 2)],
                out_hbm.at[pl.ds(base + g * _K, _K)],
                osem)

        def drain_out_copy(g):
            pltpu.make_async_copy(
                rows_v.at[lax.rem(g, 2)],
                out_hbm.at[pl.ds(base + g * _K, _K)],
                osem).wait()

        def body(g, carry):
            @pl.when(g >= 2)
            def _():
                drain_out_copy(g - 2)
            fire_gathers(g)
            @pl.when(g >= 1)
            def _():
                drain_gathers(g - 1)
                start_out_copy(g - 1)
            return carry

        lax.fori_loop(0, n_groups, body, 0)
        drain_gathers(n_groups - 1)
        start_out_copy(n_groups - 1)
        drain_out_copy(n_groups - 2)
        drain_out_copy(n_groups - 1)

    return gather_k


def kernel(x, table, W):
    B, L = x.shape
    V = table.shape[0]
    O = W.shape[0]
    small = _project(table, W)
    Q = V // (128 // O)
    xi = x.astype(jnp.int32)
    q = xi // Q
    xr = (xi - q * Q) * (128 // O) + q
    return _make_gather(B, L, O)(xr, small)

# --- scband reference (transcript-rebuilt; emitter-appended) ---
"""Pipeline reference for scband-to-small-emb-403726925966 (READ-ONLY COPY).

The authoritative reference and input builder live on the scoring server;
editing this copy changes nothing except your own understanding.
"""

import jax, jax.numpy as jnp
import numpy as np

VOCAB = 1000000
IN_DIM = 128
OUT_DIM = 32
BATCH = 16384
HIST = 50

def setup_inputs(seed: int = 0) -> dict:
    key = jax.random.key(seed)
    k1, k2, k3 = jax.random.split(key, 3)
    x = jax.random.randint(k1, (BATCH, HIST), 0, VOCAB, dtype=jnp.int64) if jax.config.jax_enable_x64 else jax.random.randint(k1, (BATCH, HIST), 0, VOCAB, dtype=jnp.int32)
    table = jax.random.normal(k2, (VOCAB, IN_DIM), dtype=jnp.float32) * 0.02
    W = jax.random.normal(k3, (OUT_DIM, IN_DIM), dtype=jnp.float32) * 0.02
    return {"x": x, "table": table, "W": W}

def reference(x, table, W):
    # torch: with torch.no_grad(): emb = self.emb(x)  -> stop_gradient on the lookup
    emb = jax.lax.stop_gradient(jnp.take(table, x, axis=0))  # [B, L, IN_DIM]
    # nn.Linear(input_dim, output_dim, bias=False): y = emb @ W.T
    return emb @ W.T  # [B, L, OUT_DIM]

if __name__ == "__main__":
    import jax
    _d = setup_inputs()
    print(jax.jit(kernel)(*tuple(_d.values())))

</pallas_src>

<mosaic_0001>
#map = affine_map<(d0, d1) -> (0, 0)>
#map1 = affine_map<(d0, d1) -> (0, 0, 0)>
module attributes {stable_mosaic.version = 14 : i64} {
  func.func @gather_k(%arg0: i32, %arg1: i32, %arg2: memref<16384x50xi32, #tpu.memory_space<hbm>>, %arg3: memref<1000000x32xf32, #tpu.memory_space<hbm>>, %arg4: memref<16384x50x32xf32, #tpu.memory_space<hbm>>, %arg5: memref<512x50xi32, #tpu.memory_space<vmem>>, %arg6: memref<2x16x50x32xf32, #tpu.memory_space<vmem>>, %arg7: memref<!tpu.dma_semaphore, #tpu.memory_space<semaphore_mem>>, %arg8: memref<!tpu.dma_semaphore, #tpu.memory_space<semaphore_mem>>) attributes {dimension_semantics = [#tpu.dimension_semantics<core_parallel>, #tpu.dimension_semantics<subcore_parallel>], iteration_bounds = array<i64: 2, 16>, scalar_prefetch = 0 : i64, scratch_operands = 4 : i64, tpu.core_type = #tpu.core_type<sc_vector_subcore>, window_params = [{transform_indices = #map}, {transform_indices = #map}, {transform_indices = #map1}]} {
    %mul3A = arith.constant 2 : i32
    %mul3A_0 = arith.muli %arg1, %mul3A : i32
    %add3A = arith.addi %mul3A_0, %arg0 : i32
    %mul3A_1 = arith.constant 512 : i32
    %mul3A_2 = arith.muli %add3A, %mul3A_1 : i32
    "tpu.region"() ({
      %run_scoped3A = tpu.sem_alloc : memref<!tpu.dma_semaphore, #tpu.memory_space<semaphore_mem>>
      %dma_start3A_89 = arith.constant 0 : i32
      %dma_start3A_90 = tpu.memref_slice %arg2[%mul3A_2, %dma_start3A_89] : memref<16384x50xi32, #tpu.memory_space<hbm>> -> memref<512x50xi32, #tpu.memory_space<hbm>>
      %dma_start3A_91 = arith.constant 0 : i32
      %dma_start3A_92 = tpu.memref_slice %arg2[%mul3A_2, %dma_start3A_91] : memref<16384x50xi32, #tpu.memory_space<hbm>> -> memref<512x50xi32, #tpu.memory_space<hbm>>
      tpu.enqueue_dma source(%dma_start3A_92 : memref<512x50xi32, #tpu.memory_space<hbm>>) target(%arg5 : memref<512x50xi32, #tpu.memory_space<vmem>>) target_semaphore(%run_scoped3A : memref<!tpu.dma_semaphore, #tpu.memory_space<semaphore_mem>>)
      %dma_wait3A_93 = arith.constant 0 : i32
      %dma_wait3A_94 = tpu.memref_slice %arg2[%mul3A_2, %dma_wait3A_93] : memref<16384x50xi32, #tpu.memory_space<hbm>> -> memref<512x50xi32, #tpu.memory_space<hbm>>
      %dma_wait3A_95 = arith.constant 0 : i32
      %dma_wait3A_96 = tpu.memref_slice %arg2[%mul3A_2, %dma_wait3A_95] : memref<16384x50xi32, #tpu.memory_space<hbm>> -> memref<512x50xi32, #tpu.memory_space<hbm>>
      tpu.wait_dma2 semaphore(%run_scoped3A : memref<!tpu.dma_semaphore, #tpu.memory_space<semaphore_mem>>) src(%dma_wait3A_96 : memref<512x50xi32, #tpu.memory_space<hbm>>) dst(%arg5 : memref<512x50xi32, #tpu.memory_space<vmem>>)
      tpu.yield
    }) : () -> ()
    %scan3A = arith.constant 0 : i32
    %scan3A_3 = arith.constant 0 : i32
    %scan3A_4 = arith.constant 32 : i32
    %scan3A_5 = arith.addi %scan3A_3, %scan3A_4 : i32
    %scan3A_6 = arith.constant 1 : i32
    scf.for %scan3A_89 = %scan3A_3 to %scan3A_5 step %scan3A_6  : i32 {
      %ge3A = arith.constant 2 : i32
      %ge3A_90 = arith.cmpi sge, %scan3A_89, %ge3A : i32
      %convert_element_type3A = arith.extui %ge3A_90 : i1 to i32
      %cond3A = arith.constant 0 : i32
      %cond3A_91 = arith.cmpi ne, %convert_element_type3A, %cond3A : i32
      scf.if %cond3A_91 {
        %sub3A = arith.constant 2 : i32
        %sub3A_419 = arith.subi %scan3A_89, %sub3A : i32
        %rem3A_420 = arith.constant 2 : i32
        %rem3A_421 = arith.remsi %sub3A_419, %rem3A_420 : i32
        %mul3A_422 = arith.constant 16 : i32
        %mul3A_423 = arith.muli %sub3A_419, %mul3A_422 : i32
        %add3A_424 = arith.addi %mul3A_2, %mul3A_423 : i32
        %dma_wait3A_425 = arith.constant 0 : i32
        %dma_wait3A_426 = arith.constant 0 : i32
        %dma_wait3A_427 = arith.constant 0 : i32
        %dma_wait3A_428 = tpu.memref_slice %arg6[%rem3A_421, %dma_wait3A_425, %dma_wait3A_426, %dma_wait3A_427] : memref<2x16x50x32xf32, #tpu.memory_space<vmem>> -> memref<1x16x50x32xf32, #tpu.memory_space<vmem>>
        %dma_wait3A_429 = tpu.memref_squeeze %dma_wait3A_428 : memref<1x16x50x32xf32, #tpu.memory_space<vmem>> -> memref<16x50x32xf32, #tpu.memory_space<vmem>>
        %dma_wait3A_430 = arith.constant 0 : i32
        %dma_wait3A_431 = arith.constant 0 : i32
        %dma_wait3A_432 = tpu.memref_slice %arg4[%add3A_424, %dma_wait3A_430, %dma_wait3A_431] : memref<16384x50x32xf32, #tpu.memory_space<hbm>> -> memref<16x50x32xf32, #tpu.memory_space<hbm>>
        %dma_wait3A_433 = arith.constant 0 : i32
        %dma_wait3A_434 = arith.constant 0 : i32
        %dma_wait3A_435 = tpu.memref_slice %arg4[%add3A_424, %dma_wait3A_433, %dma_wait3A_434] : memref<16384x50x32xf32, #tpu.memory_space<hbm>> -> memref<16x50x32xf32, #tpu.memory_space<hbm>>
        %dma_wait3A_436 = arith.constant 0 : i32
        %dma_wait3A_437 = arith.constant 0 : i32
        %dma_wait3A_438 = arith.constant 0 : i32
        %dma_wait3A_439 = tpu.memref_slice %arg6[%rem3A_421, %dma_wait3A_436, %dma_wait3A_437, %dma_wait3A_438] : memref<2x16x50x32xf32, #tpu.memory_space<vmem>> -> memref<1x16x50x32xf32, #tpu.memory_space<vmem>>
        %dma_wait3A_440 = tpu.memref_squeeze %dma_wait3A_439 : memref<1x16x50x32xf32, #tpu.memory_space<vmem>> -> memref<16x50x32xf32, #tpu.memory_space<vmem>>
        tpu.wait_dma2 semaphore(%arg8 : memref<!tpu.dma_semaphore, #tpu.memory_space<semaphore_mem>>) src(%dma_wait3A_440 : memref<16x50x32xf32, #tpu.memory_space<vmem>>) dst(%dma_wait3A_435 : memref<16x50x32xf32, #tpu.memory_space<hbm>>)
      } else {
      }
      %rem3A_92 = arith.constant 2 : i32
      %rem3A_93 = arith.remsi %scan3A_89, %rem3A_92 : i32
      %mul3A_94 = arith.constant 16 : i32
      %mul3A_95 = arith.muli %scan3A_89, %mul3A_94 : i32
      %add3A_96 = arith.constant 0 : i32
      %add3A_97 = arith.addi %mul3A_95, %add3A_96 : i32
      %dma_start3A_98 = arith.constant 0 : i32
      %dma_start3A_99 = arith.constant 0 : i32
      %dma_start3A_100 = arith.constant 0 : i32
      %dma_start3A_101 = arith.constant 0 : i32
      %dma_start3A_102 = tpu.memref_slice %arg6[%rem3A_93, %dma_start3A_99, %dma_start3A_100, %dma_start3A_101] : memref<2x16x50x32xf32, #tpu.memory_space<vmem>> -> memref<1x16x50x32xf32, #tpu.memory_space<vmem>>
      %dma_start3A_103 = tpu.memref_squeeze %dma_start3A_102 : memref<1x16x50x32xf32, #tpu.memory_space<vmem>> -> memref<16x50x32xf32, #tpu.memory_space<vmem>>
      %dma_start3A_104 = arith.constant 0 : i32
      %dma_start3A_105 = arith.constant 0 : i32
      %dma_start3A_106 = tpu.memref_slice %dma_start3A_103[%dma_start3A_98, %dma_start3A_104, %dma_start3A_105] : memref<16x50x32xf32, #tpu.memory_space<vmem>> -> memref<1x50x32xf32, #tpu.memory_space<vmem>>
      %dma_start3A_107 = tpu.memref_squeeze %dma_start3A_106 : memref<1x50x32xf32, #tpu.memory_space<vmem>> -> memref<50x32xf32, #tpu.memory_space<vmem>>
      %dma_start3A_108 = arith.constant 0 : i32
      %dma_start3A_109 = tpu.memref_slice %arg5[%add3A_97, %dma_start3A_108] : memref<512x50xi32, #tpu.memory_space<vmem>> -> memref<1x50xi32, #tpu.memory_space<vmem>>
      %dma_start3A_110 = tpu.memref_squeeze %dma_start3A_109 : memref<1x50xi32, #tpu.memory_space<vmem>> -> memref<50xi32, #tpu.memory_space<vmem>>
      %dma_start3A_111 = arith.constant 0 : i32
      %dma_start3A_112 = arith.constant 0 : i32
      %dma_start3A_113 = tpu.memref_slice %arg3[%dma_start3A_111, %dma_start3A_112] : memref<1000000x32xf32, #tpu.memory_space<hbm>> -> memref<1000000x32xf32, #tpu.memory_space<hbm>>
      tpu.enqueue_indirect_dma source(%dma_start3A_113 : memref<1000000x32xf32, #tpu.memory_space<hbm>>) target(%dma_start3A_107 : memref<50x32xf32, #tpu.memory_space<vmem>>) offsets(%dma_start3A_110 : memref<50xi32, #tpu.memory_space<vmem>>) semaphore(%arg7 : memref<!tpu.dma_semaphore, #tpu.memory_space<semaphore_mem>>)
      %mul3A_114 = arith.constant 16 : i32
      %mul3A_115 = arith.muli %scan3A_89, %mul3A_114 : i32
      %add3A_116 = arith.constant 1 : i32
      %add3A_117 = arith.addi %mul3A_115, %add3A_116 : i32
      %dma_start3A_118 = arith.constant 1 : i32
      %dma_start3A_119 = arith.constant 0 : i32
      %dma_start3A_120 = arith.constant 0 : i32
      %dma_start3A_121 = arith.constant 0 : i32
      %dma_start3A_122 = tpu.memref_slice %arg6[%rem3A_93, %dma_start3A_119, %dma_start3A_120, %dma_start3A_121] : memref<2x16x50x32xf32, #tpu.memory_space<vmem>> -> memref<1x16x50x32xf32, #tpu.memory_space<vmem>>
      %dma_start3A_123 = tpu.memref_squeeze %dma_start3A_122 : memref<1x16x50x32xf32, #tpu.memory_space<vmem>> -> memref<16x50x32xf32, #tpu.memory_space<vmem>>
      %dma_start3A_124 = arith.constant 0 : i32
      %dma_start3A_125 = arith.constant 0 : i32
      %dma_start3A_126 = tpu.memref_slice %dma_start3A_123[%dma_start3A_118, %dma_start3A_124, %dma_start3A_125] : memref<16x50x32xf32, #tpu.memory_space<vmem>> -> memref<1x50x32xf32, #tpu.memory_space<vmem>>
      %dma_start3A_127 = tpu.memref_squeeze %dma_start3A_126 : memref<1x50x32xf32, #tpu.memory_space<vmem>> -> memref<50x32xf32, #tpu.memory_space<vmem>>
      %dma_start3A_128 = arith.constant 0 : i32
      %dma_start3A_129 = tpu.memref_slice %arg5[%add3A_117, %dma_start3A_128] : memref<512x50xi32, #tpu.memory_space<vmem>> -> memref<1x50xi32, #tpu.memory_space<vmem>>
      %dma_start3A_130 = tpu.memref_squeeze %dma_start3A_129 : memref<1x50xi32, #tpu.memory_space<vmem>> -> memref<50xi32, #tpu.memory_space<vmem>>
      %dma_start3A_131 = arith.constant 0 : i32
      %dma_start3A_132 = arith.constant 0 : i32
      %dma_start3A_133 = tpu.memref_slice %arg3[%dma_start3A_131, %dma_start3A_132] : memref<1000000x32xf32, #tpu.memory_space<hbm>> -> memref<1000000x32xf32, #tpu.memory_space<hbm>>
      tpu.enqueue_indirect_dma source(%dma_start3A_133 : memref<1000000x32xf32, #tpu.memory_space<hbm>>) target(%dma_start3A_127 : memref<50x32xf32, #tpu.memory_space<vmem>>) offsets(%dma_start3A_130 : memref<50xi32, #tpu.memory_space<vmem>>) semaphore(%arg7 : memref<!tpu.dma_semaphore, #tpu.memory_space<semaphore_mem>>)
      %mul3A_134 = arith.constant 16 : i32
      %mul3A_135 = arith.muli %scan3A_89, %mul3A_134 : i32
      %add3A_136 = arith.constant 2 : i32
      %add3A_137 = arith.addi %mul3A_135, %add3A_136 : i32
      %dma_start3A_138 = arith.constant 2 : i32
      %dma_start3A_139 = arith.constant 0 : i32
      %dma_start3A_140 = arith.constant 0 : i32
      %dma_start3A_141 = arith.constant 0 : i32
      %dma_start3A_142 = tpu.memref_slice %arg6[%rem3A_93, %dma_start3A_139, %dma_start3A_140, %dma_start3A_141] : memref<2x16x50x32xf32, #tpu.memory_space<vmem>> -> memref<1x16x50x32xf32, #tpu.memory_space<vmem>>
      %dma_start3A_143 = tpu.memref_squeeze %dma_start3A_142 : memref<1x16x50x32xf32, #tpu.memory_space<vmem>> -> memref<16x50x32xf32, #tpu.memory_space<vmem>>
      %dma_start3A_144 = arith.constant 0 : i32
      %dma_start3A_145 = arith.constant 0 : i32
      %dma_start3A_146 = tpu.memref_slice %dma_start3A_143[%dma_start3A_138, %dma_start3A_144, %dma_start3A_145] : memref<16x50x32xf32, #tpu.memory_space<vmem>> -> memref<1x50x32xf32, #tpu.memory_space<vmem>>
      %dma_start3A_147 = tpu.memref_squeeze %dma_start3A_146 : memref<1x50x32xf32, #tpu.memory_space<vmem>> -> memref<50x32xf32, #tpu.memory_space<vmem>>
      %dma_start3A_148 = arith.constant 0 : i32
      %dma_start3A_149 = tpu.memref_slice %arg5[%add3A_137, %dma_start3A_148] : memref<512x50xi32, #tpu.memory_space<vmem>> -> memref<1x50xi32, #tpu.memory_space<vmem>>
      %dma_start3A_150 = tpu.memref_squeeze %dma_start3A_149 : memref<1x50xi32, #tpu.memory_space<vmem>> -> memref<50xi32, #tpu.memory_space<vmem>>
      %dma_start3A_151 = arith.constant 0 : i32
      %dma_start3A_152 = arith.constant 0 : i32
      %dma_start3A_153 = tpu.memref_slice %arg3[%dma_start3A_151, %dma_start3A_152] : memref<1000000x32xf32, #tpu.memory_space<hbm>> -> memref<1000000x32xf32, #tpu.memory_space<hbm>>
      tpu.enqueue_indirect_dma source(%dma_start3A_153 : memref<1000000x32xf32, #tpu.memory_space<hbm>>) target(%dma_start3A_147 : memref<50x32xf32, #tpu.memory_space<vmem>>) offsets(%dma_start3A_150 : memref<50xi32, #tpu.memory_space<vmem>>) semaphore(%arg7 : memref<!tpu.dma_semaphore, #tpu.memory_space<semaphore_mem>>)
      %mul3A_154 = arith.constant 16 : i32
      %mul3A_155 = arith.muli %scan3A_89, %mul3A_154 : i32
      %add3A_156 = arith.constant 3 : i32
      %add3A_157 = arith.addi %mul3A_155, %add3A_156 : i32
      %dma_start3A_158 = arith.constant 3 : i32
      %dma_start3A_159 = arith.constant 0 : i32
      %dma_start3A_160 = arith.constant 0 : i32
      %dma_start3A_161 = arith.constant 0 : i32
      %dma_start3A_162 = tpu.memref_slice %arg6[%rem3A_93, %dma_start3A_159, %dma_start3A_160, %dma_start3A_161] : memref<2x16x50x32xf32, #tpu.memory_space<vmem>> -> memref<1x16x50x32xf32, #tpu.memory_space<vmem>>
      %dma_start3A_163 = tpu.memref_squeeze %dma_start3A_162 : memref<1x16x50x32xf32, #tpu.memory_space<vmem>> -> memref<16x50x32xf32, #tpu.memory_space<vmem>>
      %dma_start3A_164 = arith.constant 0 : i32
      %dma_start3A_165 = arith.constant 0 : i32
      %dma_start3A_166 = tpu.memref_slice %dma_start3A_163[%dma_start3A_158, %dma_start3A_164, %dma_start3A_165] : memref<16x50x32xf32, #tpu.memory_space<vmem>> -> memref<1x50x32xf32, #tpu.memory_space<vmem>>
      %dma_start3A_167 = tpu.memref_squeeze %dma_start3A_166 : memref<1x50x32xf32, #tpu.memory_space<vmem>> -> memref<50x32xf32, #tpu.memory_space<vmem>>
      %dma_start3A_168 = arith.constant 0 : i32
      %dma_start3A_169 = tpu.memref_slice %arg5[%add3A_157, %dma_start3A_168] : memref<512x50xi32, #tpu.memory_space<vmem>> -> memref<1x50xi32, #tpu.memory_space<vmem>>
      %dma_start3A_170 = tpu.memref_squeeze %dma_start3A_169 : memref<1x50xi32, #tpu.memory_space<vmem>> -> memref<50xi32, #tpu.memory_space<vmem>>
      %dma_start3A_171 = arith.constant 0 : i32
      %dma_start3A_172 = arith.constant 0 : i32
      %dma_start3A_173 = tpu.memref_slice %arg3[%dma_start3A_171, %dma_start3A_172] : memref<1000000x32xf32, #tpu.memory_space<hbm>> -> memref<1000000x32xf32, #tpu.memory_space<hbm>>
      tpu.enqueue_indirect_dma source(%dma_start3A_173 : memref<1000000x32xf32, #tpu.memory_space<hbm>>) target(%dma_start3A_167 : memref<50x32xf32, #tpu.memory_space<vmem>>) offsets(%dma_start3A_170 : memref<50xi32, #tpu.memory_space<vmem>>) semaphore(%arg7 : memref<!tpu.dma_semaphore, #tpu.memory_space<semaphore_mem>>)
      %mul3A_174 = arith.constant 16 : i32
      %mul3A_175 = arith.muli %scan3A_89, %mul3A_174 : i32
      %add3A_176 = arith.constant 4 : i32
      %add3A_177 = arith.addi %mul3A_175, %add3A_176 : i32
      %dma_start3A_178 = arith.constant 4 : i32
      %dma_start3A_179 = arith.constant 0 : i32
      %dma_start3A_180 = arith.constant 0 : i32
      %dma_start3A_181 = arith.constant 0 : i32
      %dma_start3A_182 = tpu.memref_slice %arg6[%rem3A_93, %dma_start3A_179, %dma_start3A_180, %dma_start3A_181] : memref<2x16x50x32xf32, #tpu.memory_space<vmem>> -> memref<1x16x50x32xf32, #tpu.memory_space<vmem>>
      %dma_start3A_183 = tpu.memref_squeeze %dma_start3A_182 : memref<1x16x50x32xf32, #tpu.memory_space<vmem>> -> memref<16x50x32xf32, #tpu.memory_space<vmem>>
      %dma_start3A_184 = arith.constant 0 : i32
      %dma_start3A_185 = arith.constant 0 : i32
      %dma_start3A_186 = tpu.memref_slice %dma_start3A_183[%dma_start3A_178, %dma_start3A_184, %dma_start3A_185] : memref<16x50x32xf32, #tpu.memory_space<vmem>> -> memref<1x50x32xf32, #tpu.memory_space<vmem>>
      %dma_start3A_187 = tpu.memref_squeeze %dma_start3A_186 : memref<1x50x32xf32, #tpu.memory_space<vmem>> -> memref<50x32xf32, #tpu.memory_space<vmem>>
      %dma_start3A_188 = arith.constant 0 : i32
      %dma_start3A_189 = tpu.memref_slice %arg5[%add3A_177, %dma_start3A_188] : memref<512x50xi32, #tpu.memory_space<vmem>> -> memref<1x50xi32, #tpu.memory_space<vmem>>
      %dma_start3A_190 = tpu.memref_squeeze %dma_start3A_189 : memref<1x50xi32, #tpu.memory_space<vmem>> -> memref<50xi32, #tpu.memory_space<vmem>>
      %dma_start3A_191 = arith.constant 0 : i32
      %dma_start3A_192 = arith.constant 0 : i32
      %dma_start3A_193 = tpu.memref_slice %arg3[%dma_start3A_191, %dma_start3A_192] : memref<1000000x32xf32, #tpu.memory_space<hbm>> -> memref<1000000x32xf32, #tpu.memory_space<hbm>>
      tpu.enqueue_indirect_dma source(%dma_start3A_193 : memref<1000000x32xf32, #tpu.memory_space<hbm>>) target(%dma_start3A_187 : memref<50x32xf32, #tpu.memory_space<vmem>>) offsets(%dma_start3A_190 : memref<50xi32, #tpu.memory_space<vmem>>) semaphore(%arg7 : memref<!tpu.dma_semaphore, #tpu.memory_space<semaphore_mem>>)
      %mul3A_194 = arith.constant 16 : i32
      %mul3A_195 = arith.muli %scan3A_89, %mul3A_194 : i32
      %add3A_196 = arith.constant 5 : i32
      %add3A_197 = arith.addi %mul3A_195, %add3A_196 : i32
      %dma_start3A_198 = arith.constant 5 : i32
      %dma_start3A_199 = arith.constant 0 : i32
      %dma_start3A_200 = arith.constant 0 : i32
      %dma_start3A_201 = arith.constant 0 : i32
      %dma_start3A_202 = tpu.memref_slice %arg6[%rem3A_93, %dma_start3A_199, %dma_start3A_200, %dma_start3A_201] : memref<2x16x50x32xf32, #tpu.memory_space<vmem>> -> memref<1x16x50x32xf32, #tpu.memory_space<vmem>>
      %dma_start3A_203 = tpu.memref_squeeze %dma_start3A_202 : memref<1x16x50x32xf32, #tpu.memory_space<vmem>> -> memref<16x50x32xf32, #tpu.memory_space<vmem>>
      %dma_start3A_204 = arith.constant 0 : i32
      %dma_start3A_205 = arith.constant 0 : i32
      %dma_start3A_206 = tpu.memref_slice %dma_start3A_203[%dma_start3A_198, %dma_start3A_204, %dma_start3A_205] : memref<16x50x32xf32, #tpu.memory_space<vmem>> -> memref<1x50x32xf32, #tpu.memory_space<vmem>>
      %dma_start3A_207 = tpu.memref_squeeze %dma_start3A_206 : memref<1x50x32xf32, #tpu.memory_space<vmem>> -> memref<50x32xf32, #tpu.memory_space<vmem>>
      %dma_start3A_208 = arith.constant 0 : i32
      %dma_start3A_209 = tpu.memref_slice %arg5[%add3A_197, %dma_start3A_208] : memref<512x50xi32, #tpu.memory_space<vmem>> -> memref<1x50xi32, #tpu.memory_space<vmem>>
      %dma_start3A_210 = tpu.memref_squeeze %dma_start3A_209 : memref<1x50xi32, #tpu.memory_space<vmem>> -> memref<50xi32, #tpu.memory_space<vmem>>
      %dma_start3A_211 = arith.constant 0 : i32
      %dma_start3A_212 = arith.constant 0 : i32
      %dma_start3A_213 = tpu.memref_slice %arg3[%dma_start3A_211, %dma_start3A_212] : memref<1000000x32xf32, #tpu.memory_space<hbm>> -> memref<1000000x32xf32, #tpu.memory_space<hbm>>
      tpu.enqueue_indirect_dma source(%dma_start3A_213 : memref<1000000x32xf32, #tpu.memory_space<hbm>>) target(%dma_start3A_207 : memref<50x32xf32, #tpu.memory_space<vmem>>) offsets(%dma_start3A_210 : memref<50xi32, #tpu.memory_space<vmem>>) semaphore(%arg7 : memref<!tpu.dma_semaphore, #tpu.memory_space<semaphore_mem>>)
      %mul3A_214 = arith.constant 16 : i32
      %mul3A_215 = arith.muli %scan3A_89, %mul3A_214 : i32
      %add3A_216 = arith.constant 6 : i32
      %add3A_217 = arith.addi %mul3A_215, %add3A_216 : i32
      %dma_start3A_218 = arith.constant 6 : i32
      %dma_start3A_219 = arith.constant 0 : i32
      %dma_start3A_220 = arith.constant 0 : i32
      %dma_start3A_221 = arith.constant 0 : i32
      %dma_start3A_222 = tpu.memref_slice %arg6[%rem3A_93, %dma_start3A_219, %dma_start3A_220, %dma_start3A_221] : memref<2x16x50x32xf32, #tpu.memory_space<vmem>> -> memref<1x16x50x32xf32, #tpu.memory_space<vmem>>
      %dma_start3A_223 = tpu.memref_squeeze %dma_start3A_222 : memref<1x16x50x32xf32, #tpu.memory_space<vmem>> -> memref<16x50x32xf32, #tpu.memory_space<vmem>>
      %dma_start3A_224 = arith.constant 0 : i32
      %dma_start3A_225 = arith.constant 0 : i32
      %dma_start3A_226 = tpu.memref_slice %dma_start3A_223[%dma_start3A_218, %dma_start3A_224, %dma_start3A_225] : memref<16x50x32xf32, #tpu.memory_space<vmem>> -> memref<1x50x32xf32, #tpu.memory_space<vmem>>
      %dma_start3A_227 = tpu.memref_squeeze %dma_start3A_226 : memref<1x50x32xf32, #tpu.memory_space<vmem>> -> memref<50x32xf32, #tpu.memory_space<vmem>>
      %dma_start3A_228 = arith.constant 0 : i32
      %dma_start3A_229 = tpu.memref_slice %arg5[%add3A_217, %dma_start3A_228] : memref<512x50xi32, #tpu.memory_space<vmem>> -> memref<1x50xi32, #tpu.memory_space<vmem>>
      %dma_start3A_230 = tpu.memref_squeeze %dma_start3A_229 : memref<1x50xi32, #tpu.memory_space<vmem>> -> memref<50xi32, #tpu.memory_space<vmem>>
      %dma_start3A_231 = arith.constant 0 : i32
      %dma_start3A_232 = arith.constant 0 : i32
      %dma_start3A_233 = tpu.memref_slice %arg3[%dma_start3A_231, %dma_start3A_232] : memref<1000000x32xf32, #tpu.memory_space<hbm>> -> memref<1000000x32xf32, #tpu.memory_space<hbm>>
      tpu.enqueue_indirect_dma source(%dma_start3A_233 : memref<1000000x32xf32, #tpu.memory_space<hbm>>) target(%dma_start3A_227 : memref<50x32xf32, #tpu.memory_space<vmem>>) offsets(%dma_start3A_230 : memref<50xi32, #tpu.memory_space<vmem>>) semaphore(%arg7 : memref<!tpu.dma_semaphore, #tpu.memory_space<semaphore_mem>>)
      %mul3A_234 = arith.constant 16 : i32
      %mul3A_235 = arith.muli %scan3A_89, %mul3A_234 : i32
      %add3A_236 = arith.constant 7 : i32
      %add3A_237 = arith.addi %mul3A_235, %add3A_236 : i32
      %dma_start3A_238 = arith.constant 7 : i32
      %dma_start3A_239 = arith.constant 0 : i32
      %dma_start3A_240 = arith.constant 0 : i32
      %dma_start3A_241 = arith.constant 0 : i32
      %dma_start3A_242 = tpu.memref_slice %arg6[%rem3A_93, %dma_start3A_239, %dma_start3A_240, %dma_start3A_241] : memref<2x16x50x32xf32, #tpu.memory_space<vmem>> -> memref<1x16x50x32xf32, #tpu.memory_space<vmem>>
      %dma_start3A_243 = tpu.memref_squeeze %dma_start3A_242 : memref<1x16x50x32xf32, #tpu.memory_space<vmem>> -> memref<16x50x32xf32, #tpu.memory_space<vmem>>
      %dma_start3A_244 = arith.constant 0 : i32
      %dma_start3A_245 = arith.constant 0 : i32
      %dma_start3A_246 = tpu.memref_slice %dma_start3A_243[%dma_start3A_238, %dma_start3A_244, %dma_start3A_245] : memref<16x50x32xf32, #tpu.memory_space<vmem>> -> memref<1x50x32xf32, #tpu.memory_space<vmem>>
      %dma_start3A_247 = tpu.memref_squeeze %dma_start3A_246 : memref<1x50x32xf32, #tpu.memory_space<vmem>> -> memref<50x32xf32, #tpu.memory_space<vmem>>
      %dma_start3A_248 = arith.constant 0 : i32
      %dma_start3A_249 = tpu.memref_slice %arg5[%add3A_237, %dma_start3A_248] : memref<512x50xi32, #tpu.memory_space<vmem>> -> memref<1x50xi32, #tpu.memory_space<vmem>>
      %dma_start3A_250 = tpu.memref_squeeze %dma_start3A_249 : memref<1x50xi32, #tpu.memory_space<vmem>> -> memref<50xi32, #tpu.memory_space<vmem>>
      %dma_start3A_251 = arith.constant 0 : i32
      %dma_start3A_252 = arith.constant 0 : i32
      %dma_start3A_253 = tpu.memref_slice %arg3[%dma_start3A_251, %dma_start3A_252] : memref<1000000x32xf32, #tpu.memory_space<hbm>> -> memref<1000000x32xf32, #tpu.memory_space<hbm>>
      tpu.enqueue_indirect_dma source(%dma_start3A_253 : memref<1000000x32xf32, #tpu.memory_space<hbm>>) target(%dma_start3A_247 : memref<50x32xf32, #tpu.memory_space<vmem>>) offsets(%dma_start3A_250 : memref<50xi32, #tpu.memory_space<vmem>>) semaphore(%arg7 : memref<!tpu.dma_semaphore, #tpu.memory_space<semaphore_mem>>)
      %mul3A_254 = arith.constant 16 : i32
      %mul3A_255 = arith.muli %scan3A_89, %mul3A_254 : i32
      %add3A_256 = arith.constant 8 : i32
      %add3A_257 = arith.addi %mul3A_255, %add3A_256 : i32
      %dma_start3A_258 = arith.constant 8 : i32
      %dma_start3A_259 = arith.constant 0 : i32
      %dma_start3A_260 = arith.constant 0 : i32
      %dma_start3A_261 = arith.constant 0 : i32
      %dma_start3A_262 = tpu.memref_slice %arg6[%rem3A_93, %dma_start3A_259, %dma_start3A_260, %dma_start3A_261] : memref<2x16x50x32xf32, #tpu.memory_space<vmem>> -> memref<1x16x50x32xf32, #tpu.memory_space<vmem>>
      %dma_start3A_263 = tpu.memref_squeeze %dma_start3A_262 : memref<1x16x50x32xf32, #tpu.memory_space<vmem>> -> memref<16x50x32xf32, #tpu.memory_space<vmem>>
      %dma_start3A_264 = arith.constant 0 : i32
      %dma_start3A_265 = arith.constant 0 : i32
      %dma_start3A_266 = tpu.memref_slice %dma_start3A_263[%dma_start3A_258, %dma_start3A_264, %dma_start3A_265] : memref<16x50x32xf32, #tpu.memory_space<vmem>> -> memref<1x50x32xf32, #tpu.memory_space<vmem>>
      %dma_start3A_267 = tpu.memref_squeeze %dma_start3A_266 : memref<1x50x32xf32, #tpu.memory_space<vmem>> -> memref<50x32xf32, #tpu.memory_space<vmem>>
      %dma_start3A_268 = arith.constant 0 : i32
      %dma_start3A_269 = tpu.memref_slice %arg5[%add3A_257, %dma_start3A_268] : memref<512x50xi32, #tpu.memory_space<vmem>> -> memref<1x50xi32, #tpu.memory_space<vmem>>
      %dma_start3A_270 = tpu.memref_squeeze %dma_start3A_269 : memref<1x50xi32, #tpu.memory_space<vmem>> -> memref<50xi32, #tpu.memory_space<vmem>>
      %dma_start3A_271 = arith.constant 0 : i32
      %dma_start3A_272 = arith.constant 0 : i32
      %dma_start3A_273 = tpu.memref_slice %arg3[%dma_start3A_271, %dma_start3A_272] : memref<1000000x32xf32, #tpu.memory_space<hbm>> -> memref<1000000x32xf32, #tpu.memory_space<hbm>>
      tpu.enqueue_indirect_dma source(%dma_start3A_273 : memref<1000000x32xf32, #tpu.memory_space<hbm>>) target(%dma_start3A_267 : memref<50x32xf32, #tpu.memory_space<vmem>>) offsets(%dma_start3A_270 : memref<50xi32, #tpu.memory_space<vmem>>) semaphore(%arg7 : memref<!tpu.dma_semaphore, #tpu.memory_space<semaphore_mem>>)
      %mul3A_274 = arith.constant 16 : i32
      %mul3A_275 = arith.muli %scan3A_89, %mul3A_274 : i32
      %add3A_276 = arith.constant 9 : i32
      %add3A_277 = arith.addi %mul3A_275, %add3A_276 : i32
      %dma_start3A_278 = arith.constant 9 : i32
      %dma_start3A_279 = arith.constant 0 : i32
      %dma_start3A_280 = arith.constant 0 : i32
      %dma_start3A_281 = arith.constant 0 : i32
      %dma_start3A_282 = tpu.memref_slice %arg6[%rem3A_93, %dma_start3A_279, %dma_start3A_280, %dma_start3A_281] : memref<2x16x50x32xf32, #tpu.memory_space<vmem>> -> memref<1x16x50x32xf32, #tpu.memory_space<vmem>>
      %dma_start3A_283 = tpu.memref_squeeze %dma_start3A_282 : memref<1x16x50x32xf32, #tpu.memory_space<vmem>> -> memref<16x50x32xf32, #tpu.memory_space<vmem>>
      %dma_start3A_284 = arith.constant 0 : i32
      %dma_start3A_285 = arith.constant 0 : i32
      %dma_start3A_286 = tpu.memref_slice %dma_start3A_283[%dma_start3A_278, %dma_start3A_284, %dma_start3A_285] : memref<16x50x32xf32, #tpu.memory_space<vmem>> -> memref<1x50x32xf32, #tpu.memory_space<vmem>>
      %dma_start3A_287 = tpu.memref_squeeze %dma_start3A_286 : memref<1x50x32xf32, #tpu.memory_space<vmem>> -> memref<50x32xf32, #tpu.memory_space<vmem>>
      %dma_start3A_288 = arith.constant 0 : i32
      %dma_start3A_289 = tpu.memref_slice %arg5[%add3A_277, %dma_start3A_288] : memref<512x50xi32, #tpu.memory_space<vmem>> -> memref<1x50xi32, #tpu.memory_space<vmem>>
      %dma_start3A_290 = tpu.memref_squeeze %dma_start3A_289 : memref<1x50xi32, #tpu.memory_space<vmem>> -> memref<50xi32, #tpu.memory_space<vmem>>
      %dma_start3A_291 = arith.constant 0 : i32
      %dma_start3A_292 = arith.constant 0 : i32
      %dma_start3A_293 = tpu.memref_slice %arg3[%dma_start3A_291, %dma_start3A_292] : memref<1000000x32xf32, #tpu.memory_space<hbm>> -> memref<1000000x32xf32, #tpu.memory_space<hbm>>
      tpu.enqueue_indirect_dma source(%dma_start3A_293 : memref<1000000x32xf32, #tpu.memory_space<hbm>>) target(%dma_start3A_287 : memref<50x32xf32, #tpu.memory_space<vmem>>) offsets(%dma_start3A_290 : memref<50xi32, #tpu.memory_space<vmem>>) semaphore(%arg7 : memref<!tpu.dma_semaphore, #tpu.memory_space<semaphore_mem>>)
      %mul3A_294 = arith.constant 16 : i32
      %mul3A_295 = arith.muli %scan3A_89, %mul3A_294 : i32
      %add3A_296 = arith.constant 10 : i32
      %add3A_297 = arith.addi %mul3A_295, %add3A_296 : i32
      %dma_start3A_298 = arith.constant 10 : i32
      %dma_start3A_299 = arith.constant 0 : i32
      %dma_start3A_300 = arith.constant 0 : i32
      %dma_start3A_301 = arith.constant 0 : i32
      %dma_start3A_302 = tpu.memref_slice %arg6[%rem3A_93, %dma_start3A_299, %dma_start3A_300, %dma_start3A_301] : memref<2x16x50x32xf32, #tpu.memory_space<vmem>> -> memref<1x16x50x32xf32, #tpu.memory_space<vmem>>
      %dma_start3A_303 = tpu.memref_squeeze %dma_start3A_302 : memref<1x16x50x32xf32, #tpu.memory_space<vmem>> -> memref<16x50x32xf32, #tpu.memory_space<vmem>>
      %dma_start3A_304 = arith.constant 0 : i32
      %dma_start3A_305 = arith.constant 0 : i32
      %dma_start3A_306 = tpu.memref_slice %dma_start3A_303[%dma_start3A_298, %dma_start3A_304, %dma_start3A_305] : memref<16x50x32xf32, #tpu.memory_space<vmem>> -> memref<1x50x32xf32, #tpu.memory_space<vmem>>
      %dma_start3A_307 = tpu.memref_squeeze %dma_start3A_306 : memref<1x50x32xf32, #tpu.memory_space<vmem>> -> memref<50x32xf32, #tpu.memory_space<vmem>>
      %dma_start3A_308 = arith.constant 0 : i32
      %dma_start3A_309 = tpu.memref_slice %arg5[%add3A_297, %dma_start3A_308] : memref<512x50xi32, #tpu.memory_space<vmem>> -> memref<1x50xi32, #tpu.memory_space<vmem>>
      %dma_start3A_310 = tpu.memref_squeeze %dma_start3A_309 : memref<1x50xi32, #tpu.memory_space<vmem>> -> memref<50xi32, #tpu.memory_space<vmem>>
      %dma_start3A_311 = arith.constant 0 : i32
      %dma_start3A_312 = arith.constant 0 : i32
      %dma_start3A_313 = tpu.memref_slice %arg3[%dma_start3A_311, %dma_start3A_312] : memref<1000000x32xf32, #tpu.memory_space<hbm>> -> memref<1000000x32xf32, #tpu.memory_space<hbm>>
      tpu.enqueue_indirect_dma source(%dma_start3A_313 : memref<1000000x32xf32, #tpu.memory_space<hbm>>) target(%dma_start3A_307 : memref<50x32xf32, #tpu.memory_space<vmem>>) offsets(%dma_start3A_310 : memref<50xi32, #tpu.memory_space<vmem>>) semaphore(%arg7 : memref<!tpu.dma_semaphore, #tpu.memory_space<semaphore_mem>>)
      %mul3A_314 = arith.constant 16 : i32
      %mul3A_315 = arith.muli %scan3A_89, %mul3A_314 : i32
      %add3A_316 = arith.constant 11 : i32
      %add3A_317 = arith.addi %mul3A_315, %add3A_316 : i32
      %dma_start3A_318 = arith.constant 11 : i32
      %dma_start3A_319 = arith.constant 0 : i32
      %dma_start3A_320 = arith.constant 0 : i32
      %dma_start3A_321 = arith.constant 0 : i32
      %dma_start3A_322 = tpu.memref_slice %arg6[%rem3A_93, %dma_start3A_319, %dma_start3A_320, %dma_start3A_321] : memref<2x16x50x32xf32, #tpu.memory_space<vmem>> -> memref<1x16x50x32xf32, #tpu.memory_space<vmem>>
      %dma_start3A_323 = tpu.memref_squeeze %dma_start3A_322 : memref<1x16x50x32xf32, #tpu.memory_space<vmem>> -> memref<16x50x32xf32, #tpu.memory_space<vmem>>
      %dma_start3A_324 = arith.constant 0 : i32
      %dma_start3A_325 = arith.constant 0 : i32
      %dma_start3A_326 = tpu.memref_slice %dma_start3A_323[%dma_start3A_318, %dma_start3A_324, %dma_start3A_325] : memref<16x50x32xf32, #tpu.memory_space<vmem>> -> memref<1x50x32xf32, #tpu.memory_space<vmem>>
      %dma_start3A_327 = tpu.memref_squeeze %dma_start3A_326 : memref<1x50x32xf32, #tpu.memory_space<vmem>> -> memref<50x32xf32, #tpu.memory_space<vmem>>
      %dma_start3A_328 = arith.constant 0 : i32
      %dma_start3A_329 = tpu.memref_slice %arg5[%add3A_317, %dma_start3A_328] : memref<512x50xi32, #tpu.memory_space<vmem>> -> memref<1x50xi32, #tpu.memory_space<vmem>>
      %dma_start3A_330 = tpu.memref_squeeze %dma_start3A_329 : memref<1x50xi32, #tpu.memory_space<vmem>> -> memref<50xi32, #tpu.memory_space<vmem>>
      %dma_start3A_331 = arith.constant 0 : i32
      %dma_start3A_332 = arith.constant 0 : i32
      %dma_start3A_333 = tpu.memref_slice %arg3[%dma_start3A_331, %dma_start3A_332] : memref<1000000x32xf32, #tpu.memory_space<hbm>> -> memref<1000000x32xf32, #tpu.memory_space<hbm>>
      tpu.enqueue_indirect_dma source(%dma_start3A_333 : memref<1000000x32xf32, #tpu.memory_space<hbm>>) target(%dma_start3A_327 : memref<50x32xf32, #tpu.memory_space<vmem>>) offsets(%dma_start3A_330 : memref<50xi32, #tpu.memory_space<vmem>>) semaphore(%arg7 : memref<!tpu.dma_semaphore, #tpu.memory_space<semaphore_mem>>)
      %mul3A_334 = arith.constant 16 : i32
      %mul3A_335 = arith.muli %scan3A_89, %mul3A_334 : i32
      %add3A_336 = arith.constant 12 : i32
      %add3A_337 = arith.addi %mul3A_335, %add3A_336 : i32
      %dma_start3A_338 = arith.constant 12 : i32
      %dma_start3A_339 = arith.constant 0 : i32
      %dma_start3A_340 = arith.constant 0 : i32
      %dma_start3A_341 = arith.constant 0 : i32
      %dma_start3A_342 = tpu.memref_slice %arg6[%rem3A_93, %dma_start3A_339, %dma_start3A_340, %dma_start3A_341] : memref<2x16x50x32xf32, #tpu.memory_space<vmem>> -> memref<1x16x50x32xf32, #tpu.memory_space<vmem>>
      %dma_start3A_343 = tpu.memref_squeeze %dma_start3A_342 : memref<1x16x50x32xf32, #tpu.memory_space<vmem>> -> memref<16x50x32xf32, #tpu.memory_space<vmem>>
      %dma_start3A_344 = arith.constant 0 : i32
      %dma_start3A_345 = arith.constant 0 : i32
      %dma_start3A_346 = tpu.memref_slice %dma_start3A_343[%dma_start3A_338, %dma_start3A_344, %dma_start3A_345] : memref<16x50x32xf32, #tpu.memory_space<vmem>> -> memref<1x50x32xf32, #tpu.memory_space<vmem>>
      %dma_start3A_347 = tpu.memref_squeeze %dma_start3A_346 : memref<1x50x32xf32, #tpu.memory_space<vmem>> -> memref<50x32xf32, #tpu.memory_space<vmem>>
      %dma_start3A_348 = arith.constant 0 : i32
      %dma_start3A_349 = tpu.memref_slice %arg5[%add3A_337, %dma_start3A_348] : memref<512x50xi32, #tpu.memory_space<vmem>> -> memref<1x50xi32, #tpu.memory_space<vmem>>
      %dma_start3A_350 = tpu.memref_squeeze %dma_start3A_349 : memref<1x50xi32, #tpu.memory_space<vmem>> -> memref<50xi32, #tpu.memory_space<vmem>>
      %dma_start3A_351 = arith.constant 0 : i32
      %dma_start3A_352 = arith.constant 0 : i32
      %dma_start3A_353 = tpu.memref_slice %arg3[%dma_start3A_351, %dma_start3A_352] : memref<1000000x32xf32, #tpu.memory_space<hbm>> -> memref<1000000x32xf32, #tpu.memory_space<hbm>>
      tpu.enqueue_indirect_dma source(%dma_start3A_353 : memref<1000000x32xf32, #tpu.memory_space<hbm>>) target(%dma_start3A_347 : memref<50x32xf32, #tpu.memory_space<vmem>>) offsets(%dma_start3A_350 : memref<50xi32, #tpu.memory_space<vmem>>) semaphore(%arg7 : memref<!tpu.dma_semaphore, #tpu.memory_space<semaphore_mem>>)
      %mul3A_354 = arith.constant 16 : i32
      %mul3A_355 = arith.muli %scan3A_89, %mul3A_354 : i32
      %add3A_356 = arith.constant 13 : i32
      %add3A_357 = arith.addi %mul3A_355, %add3A_356 : i32
      %dma_start3A_358 = arith.constant 13 : i32
      %dma_start3A_359 = arith.constant 0 : i32
      %dma_start3A_360 = arith.constant 0 : i32
      %dma_start3A_361 = arith.constant 0 : i32
      %dma_start3A_362 = tpu.memref_slice %arg6[%rem3A_93, %dma_start3A_359, %dma_start3A_360, %dma_start3A_361] : memref<2x16x50x32xf32, #tpu.memory_space<vmem>> -> memref<1x16x50x32xf32, #tpu.memory_space<vmem>>
      %dma_start3A_363 = tpu.memref_squeeze %dma_start3A_362 : memref<1x16x50x32xf32, #tpu.memory_space<vmem>> -> memref<16x50x32xf32, #tpu.memory_space<vmem>>
      %dma_start3A_364 = arith.constant 0 : i32
      %dma_start3A_365 = arith.constant 0 : i32
      %dma_start3A_366 = tpu.memref_slice %dma_start3A_363[%dma_start3A_358, %dma_start3A_364, %dma_start3A_365] : memref<16x50x32xf32, #tpu.memory_space<vmem>> -> memref<1x50x32xf32, #tpu.memory_space<vmem>>
      %dma_start3A_367 = tpu.memref_squeeze %dma_start3A_366 : memref<1x50x32xf32, #tpu.memory_space<vmem>> -> memref<50x32xf32, #tpu.memory_space<vmem>>
      %dma_start3A_368 = arith.constant 0 : i32
      %dma_start3A_369 = tpu.memref_slice %arg5[%add3A_357, %dma_start3A_368] : memref<512x50xi32, #tpu.memory_space<vmem>> -> memref<1x50xi32, #tpu.memory_space<vmem>>
      %dma_start3A_370 = tpu.memref_squeeze %dma_start3A_369 : memref<1x50xi32, #tpu.memory_space<vmem>> -> memref<50xi32, #tpu.memory_space<vmem>>
      %dma_start3A_371 = arith.constant 0 : i32
      %dma_start3A_372 = arith.constant 0 : i32
      %dma_start3A_373 = tpu.memref_slice %arg3[%dma_start3A_371, %dma_start3A_372] : memref<1000000x32xf32, #tpu.memory_space<hbm>> -> memref<1000000x32xf32, #tpu.memory_space<hbm>>
      tpu.enqueue_indirect_dma source(%dma_start3A_373 : memref<1000000x32xf32, #tpu.memory_space<hbm>>) target(%dma_start3A_367 : memref<50x32xf32, #tpu.memory_space<vmem>>) offsets(%dma_start3A_370 : memref<50xi32, #tpu.memory_space<vmem>>) semaphore(%arg7 : memref<!tpu.dma_semaphore, #tpu.memory_space<semaphore_mem>>)
      %mul3A_374 = arith.constant 16 : i32
      %mul3A_375 = arith.muli %scan3A_89, %mul3A_374 : i32
      %add3A_376 = arith.constant 14 : i32
      %add3A_377 = arith.addi %mul3A_375, %add3A_376 : i32
      %dma_start3A_378 = arith.constant 14 : i32
      %dma_start3A_379 = arith.constant 0 : i32
      %dma_start3A_380 = arith.constant 0 : i32
      %dma_start3A_381 = arith.constant 0 : i32
      %dma_start3A_382 = tpu.memref_slice %arg6[%rem3A_93, %dma_start3A_379, %dma_start3A_380, %dma_start3A_381] : memref<2x16x50x32xf32, #tpu.memory_space<vmem>> -> memref<1x16x50x32xf32, #tpu.memory_space<vmem>>
      %dma_start3A_383 = tpu.memref_squeeze %dma_start3A_382 : memref<1x16x50x32xf32, #tpu.memory_space<vmem>> -> memref<16x50x32xf32, #tpu.memory_space<vmem>>
      %dma_start3A_384 = arith.constant 0 : i32
      %dma_start3A_385 = arith.constant 0 : i32
      %dma_start3A_386 = tpu.memref_slice %dma_start3A_383[%dma_start3A_378, %dma_start3A_384, %dma_start3A_385] : memref<16x50x32xf32, #tpu.memory_space<vmem>> -> memref<1x50x32xf32, #tpu.memory_space<vmem>>
      %dma_start3A_387 = tpu.memref_squeeze %dma_start3A_386 : memref<1x50x32xf32, #tpu.memory_space<vmem>> -> memref<50x32xf32, #tpu.memory_space<vmem>>
      %dma_start3A_388 = arith.constant 0 : i32
      %dma_start3A_389 = tpu.memref_slice %arg5[%add3A_377, %dma_start3A_388] : memref<512x50xi32, #tpu.memory_space<vmem>> -> memref<1x50xi32, #tpu.memory_space<vmem>>
      %dma_start3A_390 = tpu.memref_squeeze %dma_start3A_389 : memref<1x50xi32, #tpu.memory_space<vmem>> -> memref<50xi32, #tpu.memory_space<vmem>>
      %dma_start3A_391 = arith.constant 0 : i32
      %dma_start3A_392 = arith.constant 0 : i32
      %dma_start3A_393 = tpu.memref_slice %arg3[%dma_start3A_391, %dma_start3A_392] : memref<1000000x32xf32, #tpu.memory_space<hbm>> -> memref<1000000x32xf32, #tpu.memory_space<hbm>>
      tpu.enqueue_indirect_dma source(%dma_start3A_393 : memref<1000000x32xf32, #tpu.memory_space<hbm>>) target(%dma_start3A_387 : memref<50x32xf32, #tpu.memory_space<vmem>>) offsets(%dma_start3A_390 : memref<50xi32, #tpu.memory_space<vmem>>) semaphore(%arg7 : memref<!tpu.dma_semaphore, #tpu.memory_space<semaphore_mem>>)
      %mul3A_394 = arith.constant 16 : i32
      %mul3A_395 = arith.muli %scan3A_89, %mul3A_394 : i32
      %add3A_396 = arith.constant 15 : i32
      %add3A_397 = arith.addi %mul3A_395, %add3A_396 : i32
      %dma_start3A_398 = arith.constant 15 : i32
      %dma_start3A_399 = arith.constant 0 : i32
      %dma_start3A_400 = arith.constant 0 : i32
      %dma_start3A_401 = arith.constant 0 : i32
      %dma_start3A_402 = tpu.memref_slice %arg6[%rem3A_93, %dma_start3A_399, %dma_start3A_400, %dma_start3A_401] : memref<2x16x50x32xf32, #tpu.memory_space<vmem>> -> memref<1x16x50x32xf32, #tpu.memory_space<vmem>>
      %dma_start3A_403 = tpu.memref_squeeze %dma_start3A_402 : memref<1x16x50x32xf32, #tpu.memory_space<vmem>> -> memref<16x50x32xf32, #tpu.memory_space<vmem>>
      %dma_start3A_404 = arith.constant 0 : i32
      %dma_start3A_405 = arith.constant 0 : i32
      %dma_start3A_406 = tpu.memref_slice %dma_start3A_403[%dma_start3A_398, %dma_start3A_404, %dma_start3A_405] : memref<16x50x32xf32, #tpu.memory_space<vmem>> -> memref<1x50x32xf32, #tpu.memory_space<vmem>>
      %dma_start3A_407 = tpu.memref_squeeze %dma_start3A_406 : memref<1x50x32xf32, #tpu.memory_space<vmem>> -> memref<50x32xf32, #tpu.memory_space<vmem>>
      %dma_start3A_408 = arith.constant 0 : i32
      %dma_start3A_409 = tpu.memref_slice %arg5[%add3A_397, %dma_start3A_408] : memref<512x50xi32, #tpu.memory_space<vmem>> -> memref<1x50xi32, #tpu.memory_space<vmem>>
      %dma_start3A_410 = tpu.memref_squeeze %dma_start3A_409 : memref<1x50xi32, #tpu.memory_space<vmem>> -> memref<50xi32, #tpu.memory_space<vmem>>
      %dma_start3A_411 = arith.constant 0 : i32
      %dma_start3A_412 = arith.constant 0 : i32
      %dma_start3A_413 = tpu.memref_slice %arg3[%dma_start3A_411, %dma_start3A_412] : memref<1000000x32xf32, #tpu.memory_space<hbm>> -> memref<1000000x32xf32, #tpu.memory_space<hbm>>
      tpu.enqueue_indirect_dma source(%dma_start3A_413 : memref<1000000x32xf32, #tpu.memory_space<hbm>>) target(%dma_start3A_407 : memref<50x32xf32, #tpu.memory_space<vmem>>) offsets(%dma_start3A_410 : memref<50xi32, #tpu.memory_space<vmem>>) semaphore(%arg7 : memref<!tpu.dma_semaphore, #tpu.memory_space<semaphore_mem>>)
      %ge3A_414 = arith.constant 1 : i32
      %ge3A_415 = arith.cmpi sge, %scan3A_89, %ge3A_414 : i32
      %convert_element_type3A_416 = arith.extui %ge3A_415 : i1 to i32
      %cond3A_417 = arith.constant 0 : i32
      %cond3A_418 = arith.cmpi ne, %convert_element_type3A_416, %cond3A_417 : i32
      scf.if %cond3A_418 {
        %sub3A = arith.constant 1 : i32
        %sub3A_419 = arith.subi %scan3A_89, %sub3A : i32
        %rem3A_420 = arith.constant 2 : i32
        %rem3A_421 = arith.remsi %sub3A_419, %rem3A_420 : i32
        %dma_wait3A_422 = arith.constant 0 : i32
        %dma_wait3A_423 = arith.constant 0 : i32
        %dma_wait3A_424 = arith.constant 0 : i32
        %dma_wait3A_425 = tpu.memref_slice %arg6[%rem3A_421, %dma_wait3A_422, %dma_wait3A_423, %dma_wait3A_424] : memref<2x16x50x32xf32, #tpu.memory_space<vmem>> -> memref<1x16x50x32xf32, #tpu.memory_space<vmem>>
        %dma_wait3A_426 = tpu.memref_squeeze %dma_wait3A_425 : memref<1x16x50x32xf32, #tpu.memory_space<vmem>> -> memref<16x50x32xf32, #tpu.memory_space<vmem>>
        %dma_wait3A_427 = arith.constant 0 : i32
        %dma_wait3A_428 = arith.constant 0 : i32
        %dma_wait3A_429 = arith.constant 0 : i32
        %dma_wait3A_430 = tpu.memref_slice %arg4[%dma_wait3A_427, %dma_wait3A_428, %dma_wait3A_429] : memref<16384x50x32xf32, #tpu.memory_space<hbm>> -> memref<16x50x32xf32, #tpu.memory_space<hbm>>
        %dma_wait3A_431 = arith.constant 0 : i32
        %dma_wait3A_432 = arith.constant 0 : i32
        %dma_wait3A_433 = arith.constant 0 : i32
        %dma_wait3A_434 = tpu.memref_slice %arg6[%rem3A_421, %dma_wait3A_431, %dma_wait3A_432, %dma_wait3A_433] : memref<2x16x50x32xf32, #tpu.memory_space<vmem>> -> memref<1x16x50x32xf32, #tpu.memory_space<vmem>>
        %dma_wait3A_435 = tpu.memref_squeeze %dma_wait3A_434 : memref<1x16x50x32xf32, #tpu.memory_space<vmem>> -> memref<16x50x32xf32, #tpu.memory_space<vmem>>
        %dma_wait3A_436 = arith.constant 0 : i32
        %dma_wait3A_437 = arith.constant 0 : i32
        %dma_wait3A_438 = arith.constant 0 : i32
        %dma_wait3A_439 = tpu.memref_slice %arg4[%dma_wait3A_436, %dma_wait3A_437, %dma_wait3A_438] : memref<16384x50x32xf32, #tpu.memory_space<hbm>> -> memref<16x50x32xf32, #tpu.memory_space<hbm>>
        tpu.wait_dma2 semaphore(%arg7 : memref<!tpu.dma_semaphore, #tpu.memory_space<semaphore_mem>>) src(%dma_wait3A_439 : memref<16x50x32xf32, #tpu.memory_space<hbm>>) dst(%dma_wait3A_435 : memref<16x50x32xf32, #tpu.memory_space<vmem>>)
        %sub3A_440 = arith.constant 1 : i32
        %sub3A_441 = arith.subi %scan3A_89, %sub3A_440 : i32
        %rem3A_442 = arith.constant 2 : i32
        %rem3A_443 = arith.remsi %sub3A_441, %rem3A_442 : i32
        %mul3A_444 = arith.constant 16 : i32
        %mul3A_445 = arith.muli %sub3A_441, %mul3A_444 : i32
        %add3A_446 = arith.addi %mul3A_2, %mul3A_445 : i32
        %dma_start3A_447 = arith.constant 0 : i32
        %dma_start3A_448 = arith.constant 0 : i32
        %dma_start3A_449 = arith.constant 0 : i32
        %dma_start3A_450 = tpu.memref_slice %arg6[%rem3A_443, %dma_start3A_447, %dma_start3A_448, %dma_start3A_449] : memref<2x16x50x32xf32, #tpu.memory_space<vmem>> -> memref<1x16x50x32xf32, #tpu.memory_space<vmem>>
        %dma_start3A_451 = tpu.memref_squeeze %dma_start3A_450 : memref<1x16x50x32xf32, #tpu.memory_space<vmem>> -> memref<16x50x32xf32, #tpu.memory_space<vmem>>
        %dma_start3A_452 = arith.constant 0 : i32
        %dma_start3A_453 = arith.constant 0 : i32
        %dma_start3A_454 = tpu.memref_slice %arg4[%add3A_446, %dma_start3A_452, %dma_start3A_453] : memref<16384x50x32xf32, #tpu.memory_space<hbm>> -> memref<16x50x32xf32, #tpu.memory_space<hbm>>
        %dma_start3A_455 = arith.constant 0 : i32
        %dma_start3A_456 = arith.constant 0 : i32
        %dma_start3A_457 = tpu.memref_slice %arg4[%add3A_446, %dma_start3A_455, %dma_start3A_456] : memref<16384x50x32xf32, #tpu.memory_space<hbm>> -> memref<16x50x32xf32, #tpu.memory_space<hbm>>
        %dma_start3A_458 = arith.constant 0 : i32
        %dma_start3A_459 = arith.constant 0 : i32
        %dma_start3A_460 = arith.constant 0 : i32
        %dma_start3A_461 = tpu.memref_slice %arg6[%rem3A_443, %dma_start3A_458, %dma_start3A_459, %dma_start3A_460] : memref<2x16x50x32xf32, #tpu.memory_space<vmem>> -> memref<1x16x50x32xf32, #tpu.memory_space<vmem>>
        %dma_start3A_462 = tpu.memref_squeeze %dma_start3A_461 : memref<1x16x50x32xf32, #tpu.memory_space<vmem>> -> memref<16x50x32xf32, #tpu.memory_space<vmem>>
        tpu.enqueue_dma source(%dma_start3A_462 : memref<16x50x32xf32, #tpu.memory_space<vmem>>) target(%dma_start3A_457 : memref<16x50x32xf32, #tpu.memory_space<hbm>>) target_semaphore(%arg8 : memref<!tpu.dma_semaphore, #tpu.memory_space<semaphore_mem>>)
      } else {
      }
    }
    %scan3A_7 = arith.constant 32 : i32
    %rem3A = arith.constant 31 : i32
    %rem3A_8 = arith.constant 2 : i32
    %rem3A_9 = arith.remsi %rem3A, %rem3A_8 : i32
    %dma_wait3A = arith.constant 0 : i32
    %dma_wait3A_10 = arith.constant 0 : i32
    %dma_wait3A_11 = arith.constant 0 : i32
    %dma_wait3A_12 = tpu.memref_slice %arg6[%rem3A_9, %dma_wait3A, %dma_wait3A_10, %dma_wait3A_11] : memref<2x16x50x32xf32, #tpu.memory_space<vmem>> -> memref<1x16x50x32xf32, #tpu.memory_space<vmem>>
    %dma_wait3A_13 = tpu.memref_squeeze %dma_wait3A_12 : memref<1x16x50x32xf32, #tpu.memory_space<vmem>> -> memref<16x50x32xf32, #tpu.memory_space<vmem>>
    %dma_wait3A_14 = arith.constant 0 : i32
    %dma_wait3A_15 = arith.constant 0 : i32
    %dma_wait3A_16 = arith.constant 0 : i32
    %dma_wait3A_17 = tpu.memref_slice %arg4[%dma_wait3A_14, %dma_wait3A_15, %dma_wait3A_16] : memref<16384x50x32xf32, #tpu.memory_space<hbm>> -> memref<16x50x32xf32, #tpu.memory_space<hbm>>
    %dma_wait3A_18 = arith.constant 0 : i32
    %dma_wait3A_19 = arith.constant 0 : i32
    %dma_wait3A_20 = arith.constant 0 : i32
    %dma_wait3A_21 = tpu.memref_slice %arg6[%rem3A_9, %dma_wait3A_18, %dma_wait3A_19, %dma_wait3A_20] : memref<2x16x50x32xf32, #tpu.memory_space<vmem>> -> memref<1x16x50x32xf32, #tpu.memory_space<vmem>>
    %dma_wait3A_22 = tpu.memref_squeeze %dma_wait3A_21 : memref<1x16x50x32xf32, #tpu.memory_space<vmem>> -> memref<16x50x32xf32, #tpu.memory_space<vmem>>
    %dma_wait3A_23 = arith.constant 0 : i32
    %dma_wait3A_24 = arith.constant 0 : i32
    %dma_wait3A_25 = arith.constant 0 : i32
    %dma_wait3A_26 = tpu.memref_slice %arg4[%dma_wait3A_23, %dma_wait3A_24, %dma_wait3A_25] : memref<16384x50x32xf32, #tpu.memory_space<hbm>> -> memref<16x50x32xf32, #tpu.memory_space<hbm>>
    tpu.wait_dma2 semaphore(%arg7 : memref<!tpu.dma_semaphore, #tpu.memory_space<semaphore_mem>>) src(%dma_wait3A_26 : memref<16x50x32xf32, #tpu.memory_space<hbm>>) dst(%dma_wait3A_22 : memref<16x50x32xf32, #tpu.memory_space<vmem>>)
    %rem3A_27 = arith.constant 31 : i32
    %rem3A_28 = arith.constant 2 : i32
    %rem3A_29 = arith.remsi %rem3A_27, %rem3A_28 : i32
    %add3A_30 = arith.constant 496 : i32
    %add3A_31 = arith.addi %mul3A_2, %add3A_30 : i32
    %dma_start3A = arith.constant 0 : i32
    %dma_start3A_32 = arith.constant 0 : i32
    %dma_start3A_33 = arith.constant 0 : i32
    %dma_start3A_34 = tpu.memref_slice %arg6[%rem3A_29, %dma_start3A, %dma_start3A_32, %dma_start3A_33] : memref<2x16x50x32xf32, #tpu.memory_space<vmem>> -> memref<1x16x50x32xf32, #tpu.memory_space<vmem>>
    %dma_start3A_35 = tpu.memref_squeeze %dma_start3A_34 : memref<1x16x50x32xf32, #tpu.memory_space<vmem>> -> memref<16x50x32xf32, #tpu.memory_space<vmem>>
    %dma_start3A_36 = arith.constant 0 : i32
    %dma_start3A_37 = arith.constant 0 : i32
    %dma_start3A_38 = tpu.memref_slice %arg4[%add3A_31, %dma_start3A_36, %dma_start3A_37] : memref<16384x50x32xf32, #tpu.memory_space<hbm>> -> memref<16x50x32xf32, #tpu.memory_space<hbm>>
    %dma_start3A_39 = arith.constant 0 : i32
    %dma_start3A_40 = arith.constant 0 : i32
    %dma_start3A_41 = tpu.memref_slice %arg4[%add3A_31, %dma_start3A_39, %dma_start3A_40] : memref<16384x50x32xf32, #tpu.memory_space<hbm>> -> memref<16x50x32xf32, #tpu.memory_space<hbm>>
    %dma_start3A_42 = arith.constant 0 : i32
    %dma_start3A_43 = arith.constant 0 : i32
    %dma_start3A_44 = arith.constant 0 : i32
    %dma_start3A_45 = tpu.memref_slice %arg6[%rem3A_29, %dma_start3A_42, %dma_start3A_43, %dma_start3A_44] : memref<2x16x50x32xf32, #tpu.memory_space<vmem>> -> memref<1x16x50x32xf32, #tpu.memory_space<vmem>>
    %dma_start3A_46 = tpu.memref_squeeze %dma_start3A_45 : memref<1x16x50x32xf32, #tpu.memory_space<vmem>> -> memref<16x50x32xf32, #tpu.memory_space<vmem>>
    tpu.enqueue_dma source(%dma_start3A_46 : memref<16x50x32xf32, #tpu.memory_space<vmem>>) target(%dma_start3A_41 : memref<16x50x32xf32, #tpu.memory_space<hbm>>) target_semaphore(%arg8 : memref<!tpu.dma_semaphore, #tpu.memory_space<semaphore_mem>>)
    %rem3A_47 = arith.constant 30 : i32
    %rem3A_48 = arith.constant 2 : i32
    %rem3A_49 = arith.remsi %rem3A_47, %rem3A_48 : i32
    %add3A_50 = arith.constant 480 : i32
    %add3A_51 = arith.addi %mul3A_2, %add3A_50 : i32
    %dma_wait3A_52 = arith.constant 0 : i32
    %dma_wait3A_53 = arith.constant 0 : i32
    %dma_wait3A_54 = arith.constant 0 : i32
    %dma_wait3A_55 = tpu.memref_slice %arg6[%rem3A_49, %dma_wait3A_52, %dma_wait3A_53, %dma_wait3A_54] : memref<2x16x50x32xf32, #tpu.memory_space<vmem>> -> memref<1x16x50x32xf32, #tpu.memory_space<vmem>>
    %dma_wait3A_56 = tpu.memref_squeeze %dma_wait3A_55 : memref<1x16x50x32xf32, #tpu.memory_space<vmem>> -> memref<16x50x32xf32, #tpu.memory_space<vmem>>
    %dma_wait3A_57 = arith.constant 0 : i32
    %dma_wait3A_58 = arith.constant 0 : i32
    %dma_wait3A_59 = tpu.memref_slice %arg4[%add3A_51, %dma_wait3A_57, %dma_wait3A_58] : memref<16384x50x32xf32, #tpu.memory_space<hbm>> -> memref<16x50x32xf32, #tpu.memory_space<hbm>>
    %dma_wait3A_60 = arith.constant 0 : i32
    %dma_wait3A_61 = arith.constant 0 : i32
    %dma_wait3A_62 = tpu.memref_slice %arg4[%add3A_51, %dma_wait3A_60, %dma_wait3A_61] : memref<16384x50x32xf32, #tpu.memory_space<hbm>> -> memref<16x50x32xf32, #tpu.memory_space<hbm>>
    %dma_wait3A_63 = arith.constant 0 : i32
    %dma_wait3A_64 = arith.constant 0 : i32
    %dma_wait3A_65 = arith.constant 0 : i32
    %dma_wait3A_66 = tpu.memref_slice %arg6[%rem3A_49, %dma_wait3A_63, %dma_wait3A_64, %dma_wait3A_65] : memref<2x16x50x32xf32, #tpu.memory_space<vmem>> -> memref<1x16x50x32xf32, #tpu.memory_space<vmem>>
    %dma_wait3A_67 = tpu.memref_squeeze %dma_wait3A_66 : memref<1x16x50x32xf32, #tpu.memory_space<vmem>> -> memref<16x50x32xf32, #tpu.memory_space<vmem>>
    tpu.wait_dma2 semaphore(%arg8 : memref<!tpu.dma_semaphore, #tpu.memory_space<semaphore_mem>>) src(%dma_wait3A_67 : memref<16x50x32xf32, #tpu.memory_space<vmem>>) dst(%dma_wait3A_62 : memref<16x50x32xf32, #tpu.memory_space<hbm>>)
    %rem3A_68 = arith.constant 31 : i32
    %rem3A_69 = arith.constant 2 : i32
    %rem3A_70 = arith.remsi %rem3A_68, %rem3A_69 : i32
    %add3A_71 = arith.constant 496 : i32
    %add3A_72 = arith.addi %mul3A_2, %add3A_71 : i32
    %dma_wait3A_73 = arith.constant 0 : i32
    %dma_wait3A_74 = arith.constant 0 : i32
    %dma_wait3A_75 = arith.constant 0 : i32
    %dma_wait3A_76 = tpu.memref_slice %arg6[%rem3A_70, %dma_wait3A_73, %dma_wait3A_74, %dma_wait3A_75] : memref<2x16x50x32xf32, #tpu.memory_space<vmem>> -> memref<1x16x50x32xf32, #tpu.memory_space<vmem>>
    %dma_wait3A_77 = tpu.memref_squeeze %dma_wait3A_76 : memref<1x16x50x32xf32, #tpu.memory_space<vmem>> -> memref<16x50x32xf32, #tpu.memory_space<vmem>>
    %dma_wait3A_78 = arith.constant 0 : i32
    %dma_wait3A_79 = arith.constant 0 : i32
    %dma_wait3A_80 = tpu.memref_slice %arg4[%add3A_72, %dma_wait3A_78, %dma_wait3A_79] : memref<16384x50x32xf32, #tpu.memory_space<hbm>> -> memref<16x50x32xf32, #tpu.memory_space<hbm>>
    %dma_wait3A_81 = arith.constant 0 : i32
    %dma_wait3A_82 = arith.constant 0 : i32
    %dma_wait3A_83 = tpu.memref_slice %arg4[%add3A_72, %dma_wait3A_81, %dma_wait3A_82] : memref<16384x50x32xf32, #tpu.memory_space<hbm>> -> memref<16x50x32xf32, #tpu.memory_space<hbm>>
    %dma_wait3A_84 = arith.constant 0 : i32
    %dma_wait3A_85 = arith.constant 0 : i32
    %dma_wait3A_86 = arith.constant 0 : i32
    %dma_wait3A_87 = tpu.memref_slice %arg6[%rem3A_70, %dma_wait3A_84, %dma_wait3A_85, %dma_wait3A_86] : memref<2x16x50x32xf32, #tpu.memory_space<vmem>> -> memref<1x16x50x32xf32, #tpu.memory_space<vmem>>
    %dma_wait3A_88 = tpu.memref_squeeze %dma_wait3A_87 : memref<1x16x50x32xf32, #tpu.memory_space<vmem>> -> memref<16x50x32xf32, #tpu.memory_space<vmem>>
    tpu.wait_dma2 semaphore(%arg8 : memref<!tpu.dma_semaphore, #tpu.memory_space<semaphore_mem>>) src(%dma_wait3A_88 : memref<16x50x32xf32, #tpu.memory_space<vmem>>) dst(%dma_wait3A_83 : memref<16x50x32xf32, #tpu.memory_space<hbm>>)
    return
  }
}

module attributes {stable_mosaic.version = 14 : i64} {
  func.func @_proj_body(%arg0: i32, %arg1: memref<2000x128xf32, #tpu.memory_space<vmem>>, %arg2: memref<2000x128xf32, #tpu.memory_space<vmem>>, %arg3: memref<2000x128xf32, #tpu.memory_space<vmem>>, %arg4: memref<2000x128xf32, #tpu.memory_space<vmem>>, %arg5: memref<32x128xf32, #tpu.memory_space<vmem>>, %arg6: memref<2000x128xf32, #tpu.memory_space<vmem>>) attributes {dimension_semantics = [#tpu.dimension_semantics<arbitrary>], iteration_bounds = array<i64: 125>, scalar_prefetch = 0 : i64, scratch_operands = 0 : i64, tpu.core_type = #tpu.core_type<tc>, window_params = [{transform_indices = @transform_0, window_bounds = array<i64: 2000, 128>}, {transform_indices = @transform_1, window_bounds = array<i64: 2000, 128>}, {transform_indices = @transform_2, window_bounds = array<i64: 2000, 128>}, {transform_indices = @transform_3, window_bounds = array<i64: 2000, 128>}, {pipeline_mode = #tpu.pipeline_mode<synchronous>, transform_indices = @transform_4, window_bounds = array<i64: 32, 128>}, {transform_indices = @transform_5, window_bounds = array<i64: 2000, 128>}]} {
    %get3A = arith.constant 0 : index
    %get3A_0 = arith.constant 0 : index
    %get3A_1 = vector.load %arg1[%get3A, %get3A_0] : memref<2000x128xf32, #tpu.memory_space<vmem>>, vector<2000x128xf32>
    %get3A_2 = arith.constant 0 : index
    %get3A_3 = arith.constant 0 : index
    %get3A_4 = vector.load %arg5[%get3A_2, %get3A_3] : memref<32x128xf32, #tpu.memory_space<vmem>>, vector<32x128xf32>
    %dot_general3A = arith.constant dense<0.000000e+00> : vector<2000x32xf32>
    %dot_general3A_5 = tpu.matmul %get3A_1, %get3A_4, %dot_general3A {dimension_numbers = #tpu.dot_dimension_numbers<[1], [1], [0], [0], [0, 0, 1, 0], [], []>, transpose_lhs_hint = false} : vector<2000x128xf32>, vector<32x128xf32>, vector<2000x32xf32> -> vector<2000x32xf32>
    %get3A_6 = arith.constant 0 : index
    %get3A_7 = arith.constant 0 : index
    %get3A_8 = vector.load %arg2[%get3A_6, %get3A_7] : memref<2000x128xf32, #tpu.memory_space<vmem>>, vector<2000x128xf32>
    %get3A_9 = arith.constant 0 : index
    %get3A_10 = arith.constant 0 : index
    %get3A_11 = vector.load %arg5[%get3A_9, %get3A_10] : memref<32x128xf32, #tpu.memory_space<vmem>>, vector<32x128xf32>
    %dot_general3A_12 = arith.constant dense<0.000000e+00> : vector<2000x32xf32>
    %dot_general3A_13 = tpu.matmul %get3A_8, %get3A_11, %dot_general3A_12 {dimension_numbers = #tpu.dot_dimension_numbers<[1], [1], [0], [0], [0, 0, 1, 0], [], []>, transpose_lhs_hint = false} : vector<2000x128xf32>, vector<32x128xf32>, vector<2000x32xf32> -> vector<2000x32xf32>
    %get3A_14 = arith.constant 0 : index
    %get3A_15 = arith.constant 0 : index
    %get3A_16 = vector.load %arg3[%get3A_14, %get3A_15] : memref<2000x128xf32, #tpu.memory_space<vmem>>, vector<2000x128xf32>
    %get3A_17 = arith.constant 0 : index
    %get3A_18 = arith.constant 0 : index
    %get3A_19 = vector.load %arg5[%get3A_17, %get3A_18] : memref<32x128xf32, #tpu.memory_space<vmem>>, vector<32x128xf32>
    %dot_general3A_20 = arith.constant dense<0.000000e+00> : vector<2000x32xf32>
    %dot_general3A_21 = tpu.matmul %get3A_16, %get3A_19, %dot_general3A_20 {dimension_numbers = #tpu.dot_dimension_numbers<[1], [1], [0], [0], [0, 0, 1, 0], [], []>, transpose_lhs_hint = false} : vector<2000x128xf32>, vector<32x128xf32>, vector<2000x32xf32> -> vector<2000x32xf32>
    %get3A_22 = arith.constant 0 : index
    %get3A_23 = arith.constant 0 : index
    %get3A_24 = vector.load %arg4[%get3A_22, %get3A_23] : memref<2000x128xf32, #tpu.memory_space<vmem>>, vector<2000x128xf32>
    %get3A_25 = arith.constant 0 : index
    %get3A_26 = arith.constant 0 : index
    %get3A_27 = vector.load %arg5[%get3A_25, %get3A_26] : memref<32x128xf32, #tpu.memory_space<vmem>>, vector<32x128xf32>
    %dot_general3A_28 = arith.constant dense<0.000000e+00> : vector<2000x32xf32>
    %dot_general3A_29 = tpu.matmul %get3A_24, %get3A_27, %dot_general3A_28 {dimension_numbers = #tpu.dot_dimension_numbers<[1], [1], [0], [0], [0, 0, 1, 0], [], []>, transpose_lhs_hint = false} : vector<2000x128xf32>, vector<32x128xf32>, vector<2000x32xf32> -> vector<2000x32xf32>
    %concatenate3A = tpu.concatenate %dot_general3A_5, %dot_general3A_13, %dot_general3A_21, %dot_general3A_29 in 1 : vector<2000x32xf32>, vector<2000x32xf32>, vector<2000x32xf32>, vector<2000x32xf32> -> vector<2000x128xf32>
    %swap3A = arith.constant 0 : index
    %swap3A_30 = arith.constant 0 : index
    %swap3A_31 = vector.load %arg6[%swap3A, %swap3A_30] : memref<2000x128xf32, #tpu.memory_space<vmem>>, vector<2000x128xf32>
    tpu.vector_store %arg6[%swap3A, %swap3A_30], %concatenate3A {strides = array<i32>} : memref<2000x128xf32, #tpu.memory_space<vmem>>, vector<2000x128xf32>,
    return
  }
  func.func @transform_0(%arg0: i32) -> (i32, i32) {
    %add3A = arith.constant 0 : i32
    %add3A_0 = arith.addi %arg0, %add3A : i32
    %c0_i32 = arith.constant 0 : i32
    %c0_i32_1 = arith.constant 0 : i32
    return %add3A_0, %c0_i32 : i32, i32
  }
  func.func @transform_1(%arg0: i32) -> (i32, i32) {
    %add3A = arith.constant 125 : i32
    %add3A_0 = arith.addi %arg0, %add3A : i32
    %c0_i32 = arith.constant 0 : i32
    %c0_i32_1 = arith.constant 0 : i32
    return %add3A_0, %c0_i32 : i32, i32
  }
  func.func @transform_2(%arg0: i32) -> (i32, i32) {
    %add3A = arith.constant 250 : i32
    %add3A_0 = arith.addi %arg0, %add3A : i32
    %c0_i32 = arith.constant 0 : i32
    %c0_i32_1 = arith.constant 0 : i32
    return %add3A_0, %c0_i32 : i32, i32
  }
  func.func @transform_3(%arg0: i32) -> (i32, i32) {
    %add3A = arith.constant 375 : i32
    %add3A_0 = arith.addi %arg0, %add3A : i32
    %c0_i32 = arith.constant 0 : i32
    %c0_i32_1 = arith.constant 0 : i32
    return %add3A_0, %c0_i32 : i32, i32
  }
  func.func @transform_4(%arg0: i32) -> (i32, i32) {
    %c0_i32 = arith.constant 0 : i32
    %c0_i32_0 = arith.constant 0 : i32
    %c0_i32_1 = arith.constant 0 : i32
    return %c0_i32, %c0_i32_0 : i32, i32
  }
  func.func @transform_5(%arg0: i32) -> (i32, i32) {
    %c0_i32 = arith.constant 0 : i32
    %c0_i32_0 = arith.constant 0 : i32
    return %arg0, %c0_i32 : i32, i32
  }
}

</mosaic_0001>

<sc_bundles>
// kernel: kernel.4.cloned.1.call-start
scs
__scs_entry_jumppad:
0x0: {  	(pc) =	sbr.rel $0x88, $3  }
0x1: {  	(tag) =	ssettag $0x0;
	lr =	simm.s32 $0x1  }
0x2: {  	[smem:$0x3F9E] =	sst lr;
	_ =	strace $0xD0000000  }
0x3: {  	_ = 	snop  }
0x4: {  	_ = 	snop  }
0x5: {  	_ = 	snop  }
0x6: {  	_ = 	snop  }
0x7: {  	_ = 	snop  }
__scs_overlays_trampoline_lowered:
0x8: {  	[smem:$0x3FAD] =	sst s0  }
0x9: {  	[smem:$0x3FAE] =	sst s1  }
0xa: {  	[smem:$0x3FAF] =	sst s2  }
0xb: {  	[smem:$0x3FB0] =	sst s3  }
0xc: {  	[smem:$0x3FB1] =	sst s4  }
0xd: {  	[smem:$0x3FB2] =	sst s5  }
0xe: {  	[smem:$0x3FB3] =	sst s6  }
0xf: {  	[smem:$0x3FB4] =	sst s7  }
0x10: {  	[smem:$0x3FB5] =	sst s8  }
0x11: {  	[smem:$0x3FB6] =	sst s9;
	s0 =	simm.s32 @!p0 $0x0  }
0x12: {  	s1 =	sld [smem:$0x3F9C];
	s0 =	simm.s32 @p0 $0x1  }
0x13: {  	[smem:$0x3FB7] =	sst s0;
	s0 =	simm.s32 @!p1 $0x0  }
0x14: {  	s2 =	sld [smem:$0x3F9B];
	s0 =	simm.s32 @p1 $0x1  }
0x15: {  	[smem:$0x3FB8] =	sst s0;
	s0 =	simm.s32 @!p2 $0x0  }
0x16: {  	s3 =	sld [smem:$0x3FDB];
	s0 =	simm.s32 @p2 $0x1  }
0x17: {  	s4 =	simm.s32 $0x1BF5;
	[smem:$0x3FBA] =	sst s0  }
0x18: {  	s0 =	sld [smem:$0x3F9D];
	_ =	swait.ge [sflag:s4], $0x0  }
0x19: {  	s7 =	sld [smem:$0x3F9E]  }
0x1a: {  	s8 =	sadd.s32 $0xFFFFE003, lr  }
0x1b: {  	s9 =	sadd.s32 $0xFFFFFEF7, lr;
	s5 =	simm.s32 $0xFFFFFFFF;
	p2 =	slt.u32 s8, $0xFFFFF086  }
0x1c: {  	p1 =	slt.u32 s9, $0xF7A;
	s5 =	simm.s32 @!p2 $0x0  }
0x1d: {  	s5 =	simm.s32 @p1 $0x1;
	p0 =	seq.s32 s7, s2  }
0x1e: {  	s7 =	smul.u32 @!p0 $0xF7A, s2;
	p2 =	seq.s32 @!p0 s5, $0x0  }
0x1f: {  	s9 =	smul.u32 $0xF7A, s1;
	s8 =	simm.s32 @!p0 $0x1BF5;
	p2 =	por !p2, p0  }
0x20: {  	[sflag:s8] =	ssyncset.s32 @!p0 $0xFFFFF086;
	s6 =	sadd.s32 @!p0 s3, s7;
	s7 =	simm.s32 @!p0 $0x108  }
0x21: {  	s3 =	sadd.s32 s3, s9;
	s6 =	sadd.s32 @!p0 $0x88, s6;
	s7 =	simm.s32 @p2 $0x1082  }
0x22: {  	[simem:s7], [sflag:s8] =	dma.local @!p0 [hbm:s6], $0xF7A  }
0x23: {  	s9 =	sor.u32 $0xD0000000, s2;
	s6 =	simm.s32 $0x108;
	_ =	swait.ge @!p0 [sflag:s8], $0x0  }
0x24: {  	s3 =	sadd.s32 $0x88, s3;
	s6 =	simm.s32 @!p1 $0x1082;
	[sflag:s4] =	ssyncset.s32 $0xFFFFF086  }
0x25: {  	[simem:s6], [sflag:s4] =	dma.local [hbm:s3], $0xF7A  }
0x26: {  	[smem:$0x3F9E] =	sst s1;
	(tag) =	ssettag s2;
	_ =	strace s9  }
0x27: {  	s1 =	sld [smem:$0x3FAE]  }
0x28: {  	s2 =	sld [smem:$0x3FAF]  }
0x29: {  	s4 =	sld [smem:$0x3FB1]  }
0x2a: {  	p0 =	seq.s32 s5, $0x0;
	s5 =	sld [smem:$0x3FB2]  }
0x2b: {  	s6 =	sld [smem:$0x3FB3]  }
0x2c: {  	s7 =	sld [smem:$0x3FB4]  }
0x2d: {  	s3 =	simm.s32 $0x108;
	s8 =	sld [smem:$0x3FB5]  }
0x2e: {  	s3 =	simm.s32 @!p0 $0x1082;
	s9 =	sld [smem:$0x3FB6]  }
0x2f: {  	lr =	sadd.s32 s0, s3;
	s0 =	sld [smem:$0x3FAD]  }
0x30: {  	s3 =	sld [smem:$0x3FB0]  }
0x31: {  	[smem:$0x3FB9] =	sst s10  }
0x32: {  	s10 =	sld [smem:$0x3FB7];
	_ =	sdelay $0x3  }
0x33: {  	p0 =	seq.s32 s10, $0x1;
	s10 =	sld [smem:$0x3FB9];
	_ =	sdelay $0x3  }
0x34: {  	[smem:$0x3FB9] =	sst s10  }
0x35: {  	s10 =	sld [smem:$0x3FB8];
	_ =	sdelay $0x3  }
0x36: {  	p1 =	seq.s32 s10, $0x1;
	s10 =	sld [smem:$0x3FB9];
	_ =	sdelay $0x3  }
0x37: {  	[smem:$0x3FB9] =	sst s10  }
0x38: {  	s10 =	sld [smem:$0x3FBA]  }
0x39: {  	_ = 	snop;
	(pc) =	sbr.ind lr, $3  }
0x3a: {  	_ = 	snop  }
0x3b: {  	_ = 	snop  }
0x3c: {  	p2 =	seq.s32 s10, $0x1;
	s10 =	sld [smem:$0x3FB9]  }
0x3d: {  	_ =	shalt  }
0x3e: {  	_ =	shalt  }
0x3f: {  	_ =	shalt  }
0x40: {  	_ =	shalt  }
0x41: {  	_ =	shalt  }
0x42: {  	_ =	shalt  }
0x43: {  	_ =	shalt  }
0x44: {  	_ =	shalt  }
0x45: {  	_ =	shalt  }
0x46: {  	_ =	shalt  }
0x47: {  	_ =	shalt  }
0x48: {  	_ =	shalt  }
0x49: {  	_ =	shalt  }
0x4a: {  	_ =	shalt  }
0x4b: {  	_ =	shalt  }
0x4c: {  	_ =	shalt  }
0x4d: {  	_ =	shalt  }
0x4e: {  	_ =	shalt  }
0x4f: {  	_ =	shalt  }
0x50: {  	_ =	shalt  }
0x51: {  	_ =	shalt  }
0x52: {  	_ =	shalt  }
0x53: {  	_ =	shalt  }
0x54: {  	_ =	shalt  }
0x55: {  	_ =	shalt  }
0x56: {  	_ =	shalt  }
0x57: {  	_ =	shalt  }
0x58: {  	_ =	shalt  }
0x59: {  	_ =	shalt  }
0x5a: {  	_ =	shalt  }
0x5b: {  	_ =	shalt  }
0x5c: {  	_ =	shalt  }
0x5d: {  	_ =	shalt  }
0x5e: {  	_ =	shalt  }
0x5f: {  	_ =	shalt  }
0x60: {  	_ =	shalt  }
0x61: {  	_ =	shalt  }
0x62: {  	_ =	shalt  }
0x63: {  	_ =	shalt  }
0x64: {  	_ =	shalt  }
0x65: {  	_ =	shalt  }
0x66: {  	_ =	shalt  }
0x67: {  	_ =	shalt  }
0x68: {  	_ =	shalt  }
0x69: {  	_ =	shalt  }
0x6a: {  	_ =	shalt  }
0x6b: {  	_ =	shalt  }
0x6c: {  	_ =	shalt  }
0x6d: {  	_ =	shalt  }
0x6e: {  	_ =	shalt  }
0x6f: {  	_ =	shalt  }
0x70: {  	_ =	shalt  }
0x71: {  	_ =	shalt  }
0x72: {  	_ =	shalt  }
0x73: {  	_ =	shalt  }
0x74: {  	_ =	shalt  }
0x75: {  	_ =	shalt  }
0x76: {  	_ =	shalt  }
0x77: {  	_ =	shalt  }
0x78: {  	_ =	shalt  }
0x79: {  	_ =	shalt  }
0x7a: {  	_ =	shalt  }
0x7b: {  	_ =	shalt  }
0x7c: {  	_ =	shalt  }
0x7d: {  	_ =	shalt  }
0x7e: {  	_ =	shalt  }
0x7f: {  	_ =	shalt  }
0x80: {  	_ =	shalt  }
0x81: {  	_ =	shalt  }
0x82: {  	_ =	shalt  }
0x83: {  	_ =	shalt  }
0x84: {  	_ =	shalt  }
0x85: {  	_ =	shalt  }
0x86: {  	_ =	shalt  }
0x87: {  	_ =	shalt  }
.Lfunc_end0:
.L_simem_size_0:
called_computation.1_lowered:
.L_overlay_start_0:
0x88: {  	s2 =	sld [smem:$0x3FD9]  }
0x89: {  	s3 =	sld [smem:$0x3FFE];
	_ =	sdelay $0x1  }
0x8a: {  	s1 =	srdreg.scid  }
0x8b: {  	s0 =	sand.u32 $0x1, s1  }
0x8c: {  	s17 =	sshll.u32 s0, $0xA;
	s2 =	sadd.s32 s3, s2  }
0x8d: {  	s2 =	sadd.s32 s2, s17  }
0x8e: {  	[smem:$0x3FC5] =	sst s2  }
0x8f: {  	_ = 	snop  }
0x90: {  	s2 =	sld [smem:$0x3FD0];
	(tm) =	ssettm $0x1  }
0x91: {  	s18 =	sld [smem:$0x3FFB];
	_ =	sdelay $0x3  }
0x92: {  	_ =	strace s18  }
0x93: {  	s3 =	sld [smem:$0x3FFC];
	_ =	sdelay $0x3  }
0x94: {  	_ =	strace s3  }
0x95: {  	s3 =	sld [smem:$0x3FFD];
	_ =	sdelay $0x3  }
0x96: {  	_ =	strace s3  }
0x97: {  	_ =	strace $0x8FFFFFFF  }
0x98: {  	s19 =	sld [smem:$0x3FDB];
	_ =	sdelay $0x1  }
0x99: {  	s4 =	simm.s32 $_scs_section_size  }
0x9a: {  	s5 =	simm.s32 $_size__tile_overlayer_lowered;
	s6 =	simm.s32 $_tile_overlayer_lowered  }
0x9b: {  	s22 =	simm.s32 $0x1BFF;
	s21 =	sshll.u32 s6, $0x1;
	s3 =	sadd.s32 s4, s19  }
0x9c: {  	s7 =	simm.s32 $0x0;
	s20 =	sshll.u32 s5, $0x1;
	s5 =	sadd.s32 s21, s3  }
0x9d: {  	[timem:s7], [sflag:s22] =	dma.local [hbm:s5], s20  }
0x9e: {  	_ =	swait.ge [sflag:s22], s20  }
0x9f: {  	s4 =	ssub.s32 $0x0, s20;
	[sflag:s22] =	ssyncset.done $0x0  }
0xa0: {  	[sflag:s22] =	ssyncadd.s32 s4;
	_ =	sdelay $0x1  }
0xa1: {  	s23 =	simm.s32 $0x1B8B  }
0xa2: {  	_ =	swait.ge [sflag:s23], $0x1  }
0xa3: {  	[sflag:s23] =	ssyncset.done $0x0  }
0xa4: {  	s25 =	simm.s32 $0x1B8E;
	s24 =	sld [smem:$0x3FFE];
	[sflag:s23] =	ssyncadd.s32 $0xFFFFFFFF  }
0xa5: {  	s26 =	simm.s32 $execute0_lowered;
	[smem:$0x3FD2] =	sst s25  }
0xa6: {  	s5 =	sshll.u32 s26, $0x1;
	_ =	strace $0x80000046;
	[dreg:$0x1] =	wrdreg $0xFFFFFFFF  }
0xa7: {  	s28 =	simm.s32 $_size_execute0_lowered;
	s3 =	sadd.s32 s3, s5;
	[dreg:$0x0] =	wrdreg $0x0  }
0xa8: {  	s5 =	sshll.u32 s28, $0x1;
	[dreg:$0x2] =	wrdreg s3  }
0xa9: {  	[dreg:$0x3] =	wrdreg s5  }
0xaa: {  	[dreg:$0x4] =	wrdreg $0xC0  }
0xab: {  	_ =	task [dreg:s7], $0x5FFFF  }
0xac: {  	[dreg:$0x1] =	wrdreg $0xFFFFFFFF  }
0xad: {  	[dreg:$0x0] =	wrdreg $0x60  }
0xae: {  	[dreg:$0x2] =	wrdreg s24  }
0xaf: {  	[dreg:$0x3] =	wrdreg s2  }
0xb0: {  	[dreg:$0x4] =	wrdreg $0x9  }
0xb1: {  	_ =	task.clear_ibuf [dreg:s7], $0x5FFFF;
	_ =	strace $0x90000046  }
0xb2: {  	s29 =	simm.s32 $0x9;
	_ =	strace $0x80000048  }
0xb3: {  	_ =	swait.ge [sflag:s29], $0x1  }
0xb4: {  	[sflag:s29] =	ssyncadd.s32 $0xFFFFFFFF  }
0xb5: {  	_ =	strace $0x90000048  }
0xb6: {  	_ =	sfence  }
0xb7: {  	s30 =	sld [smem:$0x0];
	_ =	sdelay $0x2  }
0xb8: {  	s31 =	sshll.u32 s1, $0xD;
	s1 =	sshrl.u32 s1, $0x2  }
0xb9: {  	s3 =	sand.u32 $0x4000, s31;
	s1 =	sadd.s32 s1, s30  }
0xba: {  	s0 =	sor.u32 s3, s0;
	s1 =	sshll.u32 s1, $0x11  }
0xbb: {  	s0 =	sor.u32 s1, s0  }
0xbc: {  	s0 =	sadd.s32 $0x8F2B, s0  }
0xbd: {  	[sflag:s0] =	ssyncadd.remote.s32 $0x1  }
0xbe: {  	_ =	sfence.sel $0xFFFF  }
0xbf: {  	[dreg:$0x0] =	wrdreg $0xFFFFFFFF;
	(pc) =	sbr.abs _section_cstart, $3  }
0xc0: {  	[dreg:$0x1] =	wrdreg $0xFFFFFFFF  }
0xc1: {  	_ =	task.clear_ibuf [dreg:s7], $0x2FFFF;
	_ =	strace $0x9FFFFFFF  }
0xc2: {  	(tm) =	ssettm $0x7FFFFFFF  }
0xc3: {  	_ =	shalt  }
tec
execute0_lowered:
.L_overlay_start_1:
0x0: {  	(tag) =	ssettag $0x1  }
0x1: {  	s0 =	srdreg.scid  }
0x2: {  	s1 =	rddreg [dreg:$0x0];
	s10 =	stileid.u32  }
0x3: {  	s7 =	rddreg [dreg:$0x1];
	s2 =	simm.s32 $0x0;
	s11 =	simm.s32 $0x7000  }
0x4: {  	s26 =	simm.s32 $0x6400;
	s28 =	simm.s32 $0x658;
	s29 =	simm.s32 $0x12540  }
0x5: {  	s30 =	simm.s32 $0x690;
	s31 =	simm.s32 $0x12B80;
	s12 =	simm.s32 $0x1  }
0x6: {  	s13 =	simm.s32 $0x2;
	s14 =	simm.s32 $0x0;
	s0 =	sand.u32 $0x1, s0  }
0x7: {  	s3 =	sshll.u32 s10, $0xA;
	[smem:$0x7FF] =	sst s2;
	s23 =	smul.u32 $0x32000, s10  }
0x8: {  	s10 =	simm.s32 $0x32;
	s4 =	sshll.u32 s0, $0x9;
	_ =	strace $0x80000047  }
0x9: {  	s21 =	ssub.s32 $0x2, s0;
	s0 =	smul.u32 $0x19000, s0;
	s5 =	sor.u32 s4, s3  }
0xa: {  	[dreg:$0x3] =	wrdreg s26;
	s8 =	sshrl.u32 s21, $0x1;
	s3 =	smul.u32 $0x7, s5  }
0xb: {  	s9 =	smul.u32 $0x640, s5;
	s22 =	ssub.s32 s21, s8;
	s8 =	sadd.s32 s23, s7  }
0xc: {  	s26 =	simm.s32 $0x11F00;
	s25 =	smul.u32 $0xC8, s5;
	s0 =	sadd.s32 s0, s8  }
0xd: {  	s6 =	sadd.s32 s3, s1;
	s3 =	sadd.s32 $0x1CA00, s1;
	s24 =	sshrl.u32 s9, $0x3  }
0xe: {  	s18 =	sadd.s32 $0xC80, s0;
	s9 =	simm.s32 $0x3;
	s1 =	simm.s32 $0x6C8  }
0xf: {  	s0 =	simm.s32 $0x131C0;
	s4 =	sadd.s32 $0xA00, s6;
	s6 =	sadd.s32 s7, s24  }
0x10: {  	s7 =	sadd.s32 s7, s25;
	s24 =	simm.s32 $0x118C0;
	s25 =	simm.s32 $0x620  }
0x11: {  	s5 =	sadd.s32 $0x18380, s6;
	s6 =	smax.u32 s22, $0x1;
	s22 =	simm.s32 $0xD400  }
.LBB2_1:
0x12: {  	[tilespmem:s2], [sflag:$0x3] =	stream.linear.gather [hbm4b:s4+s2], $0x7000, $0x38;
	[tilespmem:$0x13800] =	vst v63  }
0x13: {  	_ =	swait.ge [sflag:s9], $0x7000  }
0x14: {  	[sflag:s9] =	ssyncset.done $0x0  }
0x15: {  	[sflag:s9] =	ssyncadd.s32 $0xFFFF9000  }
0x16: {  	[tilespmem:s11], [sflag:$0x1] =	stream.indirect.gather [hbm4b:s3+s10], $0x20, s2, s10, $0xb8;
	[tilespmem:$0x13800] =	vst v63  }
0x17: {  	s8 =	simm.s32 $0x38;
	s15 =	simm.s32 $0x7640  }
0x18: {  	[tilespmem:s15], [sflag:$0x1] =	stream.indirect.gather [hbm4b:s3+s10], $0x20, s8, s10, $0xb8;
	[tilespmem:$0x13800] =	vst v63  }
0x19: {  	s21 =	simm.s32 $0x70;
	s23 =	simm.s32 $0x7C80  }
0x1a: {  	[tilespmem:s23], [sflag:$0x1] =	stream.indirect.gather [hbm4b:s3+s10], $0x20, s21, s10, $0xb8;
	[tilespmem:$0x13800] =	vst v63  }
0x1b: {  	s16 =	simm.s32 $0xA8;
	s17 =	simm.s32 $0x82C0  }
0x1c: {  	[tilespmem:s17], [sflag:$0x1] =	stream.indirect.gather [hbm4b:s3+s10], $0x20, s16, s10, $0xb8;
	[tilespmem:$0x13800] =	vst v63  }
0x1d: {  	s19 =	simm.s32 $0xE0;
	s20 =	simm.s32 $0x8900  }
0x1e: {  	[tilespmem:s20], [sflag:$0x1] =	stream.indirect.gather [hbm4b:s3+s10], $0x20, s19, s10, $0xb8;
	[tilespmem:$0x13800] =	vst v63  }
0x1f: {  	s21 =	simm.s32 $0x118;
	s23 =	simm.s32 $0x8F40  }
0x20: {  	[tilespmem:s23], [sflag:$0x1] =	stream.indirect.gather [hbm4b:s3+s10], $0x20, s21, s10, $0xb8;
	[tilespmem:$0x13800] =	vst v63  }
0x21: {  	s16 =	simm.s32 $0x150;
	s17 =	simm.s32 $0x9580  }
0x22: {  	[tilespmem:s17], [sflag:$0x1] =	stream.indirect.gather [hbm4b:s3+s10], $0x20, s16, s10, $0xb8;
	[tilespmem:$0x13800] =	vst v63  }
0x23: {  	s19 =	simm.s32 $0x188;
	s20 =	simm.s32 $0x9BC0  }
0x24: {  	[tilespmem:s20], [sflag:$0x1] =	stream.indirect.gather [hbm4b:s3+s10], $0x20, s19, s10, $0xb8;
	[tilespmem:$0x13800] =	vst v63  }
0x25: {  	s21 =	simm.s32 $0x1C0;
	s23 =	simm.s32 $0xA200  }
0x26: {  	[tilespmem:s23], [sflag:$0x1] =	stream.indirect.gather [hbm4b:s3+s10], $0x20, s21, s10, $0xb8;
	[tilespmem:$0x13800] =	vst v63  }
0x27: {  	s16 =	simm.s32 $0x1F8;
	s17 =	simm.s32 $0xA840  }
0x28: {  	[tilespmem:s17], [sflag:$0x1] =	stream.indirect.gather [hbm4b:s3+s10], $0x20, s16, s10, $0xb8;
	[tilespmem:$0x13800] =	vst v63  }
0x29: {  	s19 =	simm.s32 $0x230;
	s20 =	simm.s32 $0xAE80  }
0x2a: {  	[tilespmem:s20], [sflag:$0x1] =	stream.indirect.gather [hbm4b:s3+s10], $0x20, s19, s10, $0xb8;
	[tilespmem:$0x13800] =	vst v63  }
0x2b: {  	s21 =	simm.s32 $0x268;
	s23 =	simm.s32 $0xB4C0  }
0x2c: {  	[tilespmem:s23], [sflag:$0x1] =	stream.indirect.gather [hbm4b:s3+s10], $0x20, s21, s10, $0xb8;
	[tilespmem:$0x13800] =	vst v63  }
0x2d: {  	s16 =	simm.s32 $0x2A0;
	s17 =	simm.s32 $0xBB00  }
0x2e: {  	[tilespmem:s17], [sflag:$0x1] =	stream.indirect.gather [hbm4b:s3+s10], $0x20, s16, s10, $0xb8;
	[tilespmem:$0x13800] =	vst v63  }
0x2f: {  	s19 =	simm.s32 $0x2D8;
	s20 =	simm.s32 $0xC140  }
0x30: {  	[tilespmem:s20], [sflag:$0x1] =	stream.indirect.gather [hbm4b:s3+s10], $0x20, s19, s10, $0xb8;
	[tilespmem:$0x13800] =	vst v63  }
0x31: {  	s21 =	simm.s32 $0x310;
	s23 =	simm.s32 $0xC780  }
0x32: {  	[tilespmem:s23], [sflag:$0x1] =	stream.indirect.gather [hbm4b:s3+s10], $0x20, s21, s10, $0xb8;
	[tilespmem:$0x13800] =	vst v63  }
0x33: {  	s15 =	simm.s32 $0x348;
	s16 =	simm.s32 $0xCDC0  }
0x34: {  	[tilespmem:s16], [sflag:$0x1] =	stream.indirect.gather [hbm4b:s3+s10], $0x20, s15, s10, $0xb8;
	[tilespmem:$0x13800] =	vst v63  }
0x35: {  	s17 =	simm.s32 $0x380  }
0x36: {  	[tilespmem:s22], [sflag:$0x1] =	stream.indirect.gather [hbm4b:s3+s10], $0x20, s17, s10, $0xb8;
	[tilespmem:$0x13800] =	vst v63  }
0x37: {  	s19 =	simm.s32 $0x3B8;
	s20 =	simm.s32 $0xDA40  }
0x38: {  	[tilespmem:s20], [sflag:$0x1] =	stream.indirect.gather [hbm4b:s3+s10], $0x20, s19, s10, $0xb8;
	[tilespmem:$0x13800] =	vst v63  }
0x39: {  	s21 =	simm.s32 $0x3F0;
	s23 =	simm.s32 $0xE080  }
0x3a: {  	[tilespmem:s23], [sflag:$0x1] =	stream.indirect.gather [hbm4b:s3+s10], $0x20, s21, s10, $0xb8;
	[tilespmem:$0x13800] =	vst v63  }
0x3b: {  	s16 =	simm.s32 $0x428;
	s17 =	simm.s32 $0xE6C0  }
0x3c: {  	[tilespmem:s17], [sflag:$0x1] =	stream.indirect.gather [hbm4b:s3+s10], $0x20, s16, s10, $0xb8;
	[tilespmem:$0x13800] =	vst v63  }
0x3d: {  	s19 =	simm.s32 $0x460;
	s20 =	simm.s32 $0xED00  }
0x3e: {  	[tilespmem:s20], [sflag:$0x1] =	stream.indirect.gather [hbm4b:s3+s10], $0x20, s19, s10, $0xb8;
	[tilespmem:$0x13800] =	vst v63  }
0x3f: {  	s21 =	simm.s32 $0x498;
	s23 =	simm.s32 $0xF340  }
0x40: {  	[tilespmem:s23], [sflag:$0x1] =	stream.indirect.gather [hbm4b:s3+s10], $0x20, s21, s10, $0xb8;
	[tilespmem:$0x13800] =	vst v63  }
0x41: {  	s16 =	simm.s32 $0x4D0;
	s17 =	simm.s32 $0xF980  }
0x42: {  	[tilespmem:s17], [sflag:$0x1] =	stream.indirect.gather [hbm4b:s3+s10], $0x20, s16, s10, $0xb8;
	[tilespmem:$0x13800] =	vst v63  }
0x43: {  	s19 =	simm.s32 $0x508;
	s20 =	simm.s32 $0xFFC0  }
0x44: {  	[tilespmem:s20], [sflag:$0x1] =	stream.indirect.gather [hbm4b:s3+s10], $0x20, s19, s10, $0xb8;
	[tilespmem:$0x13800] =	vst v63  }
0x45: {  	s21 =	simm.s32 $0x540;
	s23 =	simm.s32 $0x10600  }
0x46: {  	[tilespmem:s23], [sflag:$0x1] =	stream.indirect.gather [hbm4b:s3+s10], $0x20, s21, s10, $0xb8;
	[tilespmem:$0x13800] =	vst v63  }
0x47: {  	s15 =	simm.s32 $0x578;
	s16 =	simm.s32 $0x10C40  }
0x48: {  	[tilespmem:s16], [sflag:$0x1] =	stream.indirect.gather [hbm4b:s3+s10], $0x20, s15, s10, $0xb8;
	[tilespmem:$0x13800] =	vst v63  }
0x49: {  	s17 =	simm.s32 $0x5B0;
	s19 =	simm.s32 $0x11280  }
0x4a: {  	[tilespmem:s19], [sflag:$0x1] =	stream.indirect.gather [hbm4b:s3+s10], $0x20, s17, s10, $0xb8;
	[tilespmem:$0x13800] =	vst v63  }
0x4b: {  	s20 =	simm.s32 $0x5E8  }
0x4c: {  	[tilespmem:s24], [sflag:$0x1] =	stream.indirect.gather [hbm4b:s3+s10], $0x20, s20, s10, $0xb8;
	[tilespmem:$0x13800] =	vst v63  }
0x4d: {  	_ = 	snop  }
0x4e: {  	[tilespmem:s26], [sflag:$0x1] =	stream.indirect.gather [hbm4b:s3+s10], $0x20, s25, s10, $0xb8;
	[tilespmem:$0x13800] =	vst v63  }
0x4f: {  	_ = 	snop  }
0x50: {  	[tilespmem:s29], [sflag:$0x1] =	stream.indirect.gather [hbm4b:s3+s10], $0x20, s28, s10, $0xb8;
	[tilespmem:$0x13800] =	vst v63  }
0x51: {  	_ = 	snop  }
0x52: {  	[tilespmem:s31], [sflag:$0x1] =	stream.indirect.gather [hbm4b:s3+s10], $0x20, s30, s10, $0xb8;
	[tilespmem:$0x13800] =	vst v63  }
0x53: {  	_ = 	snop  }
0x54: {  	[tilespmem:s0], [sflag:$0x1] =	stream.indirect.gather [hbm4b:s3+s10], $0x20, s1, s10, $0xb8;
	[tilespmem:$0x13800] =	vst v63  }
0x55: {  	_ =	swait.ge [sflag:s12], $0x6400  }
0x56: {  	[sflag:s12] =	ssyncset.done $0x0  }
0x57: {  	[sflag:s12] =	ssyncadd.s32 $0xFFFF9C00  }
0x58: {  	[hbm4b:s7+s2] =	stream.linear.scatter [tilespmem:s11], [sflag:$0x2], $0x6400, $0x38;
	[tilespmem:$0x13800] =	vst v63  }
0x59: {  	s21 =	sand.u32 $0x1, s13;
	_ =	swait.ge [sflag:s13], $0x6400  }
0x5a: {  	p0 =	seq.s32 s21, $0x1;
	s8 =	rddreg [dreg:$0x3]  }
0x5b: {  	[sflag:s13] =	ssyncset.done $0x0;
	s8 =	simm.s32 @!p0 $0x0  }
0x5c: {  	s16 =	simm.s32 $0x700;
	[sflag:s13] =	ssyncadd.s32 $0xFFFF9C00;
	s23 =	sadd.s32 $0x7000, s8  }
0x5d: {  	[tilespmem:s23], [sflag:$0x1] =	stream.indirect.gather [hbm4b:s3+s10], $0x20, s16, s10, $0xb8;
	[tilespmem:$0x13800] =	vst v63  }
0x5e: {  	s17 =	simm.s32 $0x738;
	s16 =	sadd.s32 $0x7640, s8  }
0x5f: {  	[tilespmem:s16], [sflag:$0x1] =	stream.indirect.gather [hbm4b:s3+s10], $0x20, s17, s10, $0xb8;
	[tilespmem:$0x13800] =	vst v63  }
0x60: {  	s20 =	simm.s32 $0x770;
	s19 =	sadd.s32 $0x7C80, s8  }
0x61: {  	[tilespmem:s19], [sflag:$0x1] =	stream.indirect.gather [hbm4b:s3+s10], $0x20, s20, s10, $0xb8;
	[tilespmem:$0x13800] =	vst v63  }
0x62: {  	s21 =	sor.u32 $0x82C0, s8;
	s23 =	simm.s32 $0x7A8  }
0x63: {  	[tilespmem:s21], [sflag:$0x1] =	stream.indirect.gather [hbm4b:s3+s10], $0x20, s23, s10, $0xb8;
	[tilespmem:$0x13800] =	vst v63  }
0x64: {  	s16 =	sor.u32 $0x8900, s8;
	s17 =	simm.s32 $0x7E0  }
0x65: {  	[tilespmem:s16], [sflag:$0x1] =	stream.indirect.gather [hbm4b:s3+s10], $0x20, s17, s10, $0xb8;
	[tilespmem:$0x13800] =	vst v63  }
0x66: {  	s19 =	sadd.s32 $0x8F40, s8;
	s20 =	simm.s32 $0x818  }
0x67: {  	[tilespmem:s19], [sflag:$0x1] =	stream.indirect.gather [hbm4b:s3+s10], $0x20, s20, s10, $0xb8;
	[tilespmem:$0x13800] =	vst v63  }
0x68: {  	s21 =	sadd.s32 $0x9580, s8;
	s23 =	simm.s32 $0x850  }
0x69: {  	[tilespmem:s21], [sflag:$0x1] =	stream.indirect.gather [hbm4b:s3+s10], $0x20, s23, s10, $0xb8;
	[tilespmem:$0x13800] =	vst v63  }
0x6a: {  	s16 =	sor.u32 $0x9BC0, s8;
	s17 =	simm.s32 $0x888  }
0x6b: {  	[tilespmem:s16], [sflag:$0x1] =	stream.indirect.gather [hbm4b:s3+s10], $0x20, s17, s10, $0xb8;
	[tilespmem:$0x13800] =	vst v63  }
0x6c: {  	s19 =	sadd.s32 $0xA200, s8;
	s20 =	simm.s32 $0x8C0  }
0x6d: {  	[tilespmem:s19], [sflag:$0x1] =	stream.indirect.gather [hbm4b:s3+s10], $0x20, s20, s10, $0xb8;
	[tilespmem:$0x13800] =	vst v63  }
0x6e: {  	s21 =	sadd.s32 $0xA840, s8;
	s23 =	simm.s32 $0x8F8  }
0x6f: {  	[tilespmem:s21], [sflag:$0x1] =	stream.indirect.gather [hbm4b:s3+s10], $0x20, s23, s10, $0xb8;
	[tilespmem:$0x13800] =	vst v63  }
0x70: {  	s16 =	sadd.s32 $0xAE80, s8;
	s17 =	simm.s32 $0x930  }
0x71: {  	[tilespmem:s16], [sflag:$0x1] =	stream.indirect.gather [hbm4b:s3+s10], $0x20, s17, s10, $0xb8;
	[tilespmem:$0x13800] =	vst v63  }
0x72: {  	s19 =	sadd.s32 $0xB4C0, s8;
	s20 =	simm.s32 $0x968  }
0x73: {  	[tilespmem:s19], [sflag:$0x1] =	stream.indirect.gather [hbm4b:s3+s10], $0x20, s20, s10, $0xb8;
	[tilespmem:$0x13800] =	vst v63  }
0x74: {  	s21 =	sadd.s32 $0xBB00, s8;
	s23 =	simm.s32 $0x9A0  }
0x75: {  	[tilespmem:s21], [sflag:$0x1] =	stream.indirect.gather [hbm4b:s3+s10], $0x20, s23, s10, $0xb8;
	[tilespmem:$0x13800] =	vst v63  }
0x76: {  	s17 =	sadd.s32 $0xC140, s8;
	s19 =	simm.s32 $0x9D8  }
0x77: {  	[tilespmem:s17], [sflag:$0x1] =	stream.indirect.gather [hbm4b:s3+s10], $0x20, s19, s10, $0xb8;
	[tilespmem:$0x13800] =	vst v63  }
0x78: {  	s20 =	sadd.s32 $0xC780, s8;
	s21 =	simm.s32 $0xA10  }
0x79: {  	[tilespmem:s20], [sflag:$0x1] =	stream.indirect.gather [hbm4b:s3+s10], $0x20, s21, s10, $0xb8;
	[tilespmem:$0x13800] =	vst v63  }
0x7a: {  	s8 =	sadd.s32 $0xCDC0, s8;
	s23 =	simm.s32 $0xA48  }
0x7b: {  	[tilespmem:s8], [sflag:$0x1] =	stream.indirect.gather [hbm4b:s3+s10], $0x20, s23, s10, $0xb8;
	[tilespmem:$0x13800] =	vst v63  }
0x7c: {  	s15 =	simm.s32 $0xE00;
	s16 =	sadd.s32 $0xC80, s18;
	_ =	swait.ge [sflag:s12], $0x6400  }
0x7d: {  	s19 =	simm.s32 $0x7000;
	s17 =	simm.s32 $0x3;
	[sflag:s12] =	ssyncset.done $0x0  }
0x7e: {  	s19 =	simm.s32 @!p0 $0xD400;
	s8 =	smov.u32 s18;
	[sflag:s12] =	ssyncadd.s32 $0xFFFF9C00  }
.LBB2_2:
0x7f: {  	[hbm4b:s8+s2] =	stream.linear.scatter [tilespmem:s19], [sflag:$0x2], $0x6400, $0x38;
	[tilespmem:$0x13800] =	vst v63  }
0x80: {  	s21 =	sand.u32 $0x1, s17;
	_ =	swait.ge [sflag:s13], $0x6400  }
0x81: {  	s20 =	smov.u32 s15;
	p1 =	seq.s32 s21, $0x1;
	s19 =	rddreg [dreg:$0x3]  }
0x82: {  	s20 =	sshra.s32 s20, $0x2;
	[sflag:s13] =	ssyncset.done $0x0;
	s19 =	simm.s32 @!p1 $0x0  }
0x83: {  	s23 =	sadd.s32 $0x700, s20;
	[sflag:s13] =	ssyncadd.s32 $0xFFFF9C00;
	s21 =	sadd.s32 $0x7000, s19  }
0x84: {  	[tilespmem:s21], [sflag:$0x1] =	stream.indirect.gather [hbm4b:s3+s10], $0x20, s23, s10, $0xb8;
	[tilespmem:$0x13800] =	vst v63  }
0x85: {  	s21 =	sadd.s32 $0x7640, s19;
	s23 =	sadd.s32 $0x738, s20  }
0x86: {  	[tilespmem:s21], [sflag:$0x1] =	stream.indirect.gather [hbm4b:s3+s10], $0x20, s23, s10, $0xb8;
	[tilespmem:$0x13800] =	vst v63  }
0x87: {  	s21 =	sadd.s32 $0x7C80, s19;
	s23 =	sadd.s32 $0x770, s20  }
0x88: {  	[tilespmem:s21], [sflag:$0x1] =	stream.indirect.gather [hbm4b:s3+s10], $0x20, s23, s10, $0xb8;
	[tilespmem:$0x13800] =	vst v63  }
0x89: {  	s21 =	sor.u32 $0x82C0, s19;
	s23 =	sadd.s32 $0x7A8, s20  }
0x8a: {  	[tilespmem:s21], [sflag:$0x1] =	stream.indirect.gather [hbm4b:s3+s10], $0x20, s23, s10, $0xb8;
	[tilespmem:$0x13800] =	vst v63  }
0x8b: {  	s21 =	sor.u32 $0x8900, s19;
	s23 =	sadd.s32 $0x7E0, s20  }
0x8c: {  	[tilespmem:s21], [sflag:$0x1] =	stream.indirect.gather [hbm4b:s3+s10], $0x20, s23, s10, $0xb8;
	[tilespmem:$0x13800] =	vst v63  }
0x8d: {  	s21 =	sadd.s32 $0x8F40, s19;
	s23 =	sadd.s32 $0x818, s20  }
0x8e: {  	[tilespmem:s21], [sflag:$0x1] =	stream.indirect.gather [hbm4b:s3+s10], $0x20, s23, s10, $0xb8;
	[tilespmem:$0x13800] =	vst v63  }
0x8f: {  	s21 =	sadd.s32 $0x9580, s19;
	s23 =	sadd.s32 $0x850, s20  }
0x90: {  	[tilespmem:s21], [sflag:$0x1] =	stream.indirect.gather [hbm4b:s3+s10], $0x20, s23, s10, $0xb8;
	[tilespmem:$0x13800] =	vst v63  }
0x91: {  	s21 =	sor.u32 $0x9BC0, s19;
	s23 =	sadd.s32 $0x888, s20  }
0x92: {  	[tilespmem:s21], [sflag:$0x1] =	stream.indirect.gather [hbm4b:s3+s10], $0x20, s23, s10, $0xb8;
	[tilespmem:$0x13800] =	vst v63  }
0x93: {  	s21 =	sadd.s32 $0xA200, s19;
	s23 =	sadd.s32 $0x8C0, s20  }
0x94: {  	[tilespmem:s21], [sflag:$0x1] =	stream.indirect.gather [hbm4b:s3+s10], $0x20, s23, s10, $0xb8;
	[tilespmem:$0x13800] =	vst v63  }
0x95: {  	s21 =	sadd.s32 $0xA840, s19;
	s23 =	sadd.s32 $0x8F8, s20  }
0x96: {  	[tilespmem:s21], [sflag:$0x1] =	stream.indirect.gather [hbm4b:s3+s10], $0x20, s23, s10, $0xb8;
	[tilespmem:$0x13800] =	vst v63  }
0x97: {  	s21 =	sadd.s32 $0xAE80, s19;
	s23 =	sadd.s32 $0x930, s20  }
0x98: {  	[tilespmem:s21], [sflag:$0x1] =	stream.indirect.gather [hbm4b:s3+s10], $0x20, s23, s10, $0xb8;
	[tilespmem:$0x13800] =	vst v63  }
0x99: {  	s21 =	sadd.s32 $0xB4C0, s19;
	s23 =	sadd.s32 $0x968, s20  }
0x9a: {  	[tilespmem:s21], [sflag:$0x1] =	stream.indirect.gather [hbm4b:s3+s10], $0x20, s23, s10, $0xb8;
	[tilespmem:$0x13800] =	vst v63  }
0x9b: {  	s21 =	sadd.s32 $0xBB00, s19;
	s23 =	sadd.s32 $0x9A0, s20  }
0x9c: {  	[tilespmem:s21], [sflag:$0x1] =	stream.indirect.gather [hbm4b:s3+s10], $0x20, s23, s10, $0xb8;
	[tilespmem:$0x13800] =	vst v63  }
0x9d: {  	s21 =	sadd.s32 $0xC140, s19;
	s23 =	sadd.s32 $0x9D8, s20  }
0x9e: {  	[tilespmem:s21], [sflag:$0x1] =	stream.indirect.gather [hbm4b:s3+s10], $0x20, s23, s10, $0xb8;
	[tilespmem:$0x13800] =	vst v63  }
0x9f: {  	p0 =	sne.s32 s15, $0x19600;
	s21 =	sadd.s32 $0xC780, s19;
	s23 =	sadd.s32 $0xA10, s20  }
0xa0: {  	[tilespmem:s21], [sflag:$0x1] =	stream.indirect.gather [hbm4b:s3+s10], $0x20, s23, s10, $0xb8;
	[tilespmem:$0x13800] =	vst v63  }
.Ltmp0:
0xa1: {  	s19 =	sadd.s32 $0xCDC0, s19;
	s20 =	sadd.s32 $0xA48, s20;
	(pc) =	sbr.rel @p0 .LBB2_2-.Ltmp0, $4  }
0xa2: {  	[tilespmem:s19], [sflag:$0x1] =	stream.indirect.gather [hbm4b:s3+s10], $0x20, s20, s10, $0xb8;
	[tilespmem:$0x13800] =	vst v63  }
0xa3: {  	s8 =	smov.u32 s16;
	s15 =	sadd.s32 $0xE00, s15;
	_ =	swait.ge [sflag:s12], $0x6400  }
0xa4: {  	s16 =	sadd.s32 $0xC80, s16;
	s19 =	simm.s32 $0x7000;
	[sflag:s12] =	ssyncset.done $0x0  }
0xa5: {  	s17 =	sadd.s32 $0x1, s17;
	s19 =	simm.s32 @!p1 $0xD400;
	[sflag:s12] =	ssyncadd.s32 $0xFFFF9C00  }
0xa6: {  	[hbm4b:s8+s2] =	stream.linear.scatter [tilespmem:s19], [sflag:$0x2], $0x6400, $0x38;
	[tilespmem:$0x13800] =	vst v63  }
0xa7: {  	_ =	swait.ge [sflag:s12], $0x6400  }
0xa8: {  	[sflag:s12] =	ssyncset.done $0x0  }
0xa9: {  	s14 =	sadd.s32 $0x1, s14;
	[sflag:s12] =	ssyncadd.s32 $0xFFFF9C00  }
0xaa: {  	[hbm4b:s5+s2] =	stream.linear.scatter [tilespmem:s22], [sflag:$0x2], $0x6400, $0x38;
	[tilespmem:$0x13800] =	vst v63  }
0xab: {  	p0 =	sne.s32 s14, s6;
	_ =	swait.ge [sflag:s13], $0x6400  }
.Ltmp1:
0xac: {  	[sflag:s13] =	ssyncset.done $0x0;
	(pc) =	sbr.rel @p0 .LBB2_1-.Ltmp1, $4  }
0xad: {  	[sflag:s13] =	ssyncadd.s32 $0xFFFF9C00  }
0xae: {  	_ =	swait.ge [sflag:s13], $0x6400  }
0xaf: {  	[sflag:s13] =	ssyncset.done $0x0  }
0xb0: {  	[sflag:s13] =	ssyncadd.s32 $0xFFFF9C00  }
0xb1: {  	_ =	sfence.sel $0x180000  }
0xb2: {  	[bflag:$0x0] =	sbarrier.arrive $0xFFFF  }
0xb3: {  	_ =	strace $0x90000047  }
0xb4: {  	s0 =	stileid.u32;
	[bflag:$0x2] =	sbarrier.arrive $0xFFFF  }
0xb5: {  	p0 =	sne.s32 s0, $0x0;
	s0 =	rddreg [dreg:$0x2]  }
0xb6: {  	s0 =	sadd.s32 @!p0 $0x100000, s0  }
0xb7: {  	[sflag:s0] =	ssyncadd.tile.s32 @!p0 $0x1;
	_ =	shalt  }
.Lfunc_end2:
_tile_overlayer_lowered:
.L_overlay_start_2:
0xb8: {  	(tag) =	ssettag $0x2  }
0xb9: {  	s0 =	rddreg [dreg:$0x0];
	s2 =	stileid.u32  }
0xba: {  	s1 =	rddreg [dreg:$0x1];
	p0 =	sne.s32 s2, $0x0  }
0xbb: {  	s3 =	rddreg [dreg:$0x2];
	[bflag:$0x3] =	sbarrier.arrive $0xFFFF;
	s2 =	simm.s32 @!p0 $0x1C03  }
0xbc: {  	[timem:s3], [sflag:s2] =	dma.local @!p0 [hbm:s0], s1  }
0xbd: {  	s0 =	simm.s32 @!p0 $0x3  }
0xbe: {  	_ =	swait.ge @!p0 [sflag:s0], s1  }
0xbf: {  	s1 =	ssub.s32 @!p0 $0x0, s1;
	[sflag:s0] =	ssyncset.done @!p0 $0x0  }
0xc0: {  	[sflag:s0] =	ssyncadd.s32 @!p0 s1  }
0xc1: {  	[bflag:$0x3] =	sbarrier.arrive $0xFFFF  }
0xc2: {  	_ =	shalt  }

// kernel: sparse-core-data-format-call.cloned.1.call-start
scs
called_computation_lowered:
.L_overlay_start_0:
0x0: {  	s2 =	sld [smem:$0x3FD9]  }
0x1: {  	s3 =	sld [smem:$0x3FFE];
	_ =	sdelay $0x1  }
0x2: {  	s1 =	srdreg.scid  }
0x3: {  	s0 =	sand.u32 $0x1, s1  }
0x4: {  	s18 =	sshll.u32 s0, $0xA;
	s2 =	sadd.s32 s3, s2  }
0x5: {  	s2 =	sadd.s32 s2, s18  }
0x6: {  	[smem:$0x3FC5] =	sst s2  }
0x7: {  	_ = 	snop  }
0x8: {  	s2 =	sld [smem:$0x3FD0];
	(tm) =	ssettm $0x1  }
0x9: {  	s19 =	sld [smem:$0x3FFB];
	_ =	sdelay $0x3  }
0xa: {  	_ =	strace s19  }
0xb: {  	s3 =	sld [smem:$0x3FFC];
	_ =	sdelay $0x3  }
0xc: {  	_ =	strace s3  }
0xd: {  	s3 =	sld [smem:$0x3FFD];
	_ =	sdelay $0x3  }
0xe: {  	_ =	strace s3  }
0xf: {  	_ =	strace $0x8FFFFFFF  }
0x10: {  	s20 =	sld [smem:$0x3FDB];
	_ =	sdelay $0x1  }
0x11: {  	s4 =	simm.s32 $_scs_section_size  }
0x12: {  	s5 =	simm.s32 $_size__tile_overlayer_lowered;
	s6 =	simm.s32 $_tile_overlayer_lowered  }
0x13: {  	s23 =	simm.s32 $0x1BFF;
	s22 =	sshll.u32 s6, $0x1;
	s3 =	sadd.s32 s4, s20  }
0x14: {  	s7 =	simm.s32 $0x0;
	s21 =	sshll.u32 s5, $0x1;
	s5 =	sadd.s32 s22, s3  }
0x15: {  	[timem:s7], [sflag:s23] =	dma.local [hbm:s5], s21  }
0x16: {  	_ =	swait.ge [sflag:s23], s21  }
0x17: {  	s4 =	ssub.s32 $0x0, s21;
	[sflag:s23] =	ssyncset.done $0x0  }
0x18: {  	[sflag:s23] =	ssyncadd.s32 s4;
	_ =	sdelay $0x1  }
0x19: {  	s24 =	simm.s32 $0x1B8B  }
0x1a: {  	_ =	swait.ge [sflag:s24], $0x1  }
0x1b: {  	[sflag:s24] =	ssyncset.done $0x0  }
0x1c: {  	s26 =	simm.s32 $0x1B8E;
	s25 =	sld [smem:$0x3FFE];
	[sflag:s24] =	ssyncadd.s32 $0xFFFFFFFF  }
0x1d: {  	s27 =	simm.s32 $execute0_lowered;
	[smem:$0x3FD2] =	sst s26  }
0x1e: {  	s5 =	sshll.u32 s27, $0x1;
	_ =	strace $0x80000049;
	[dreg:$0x1] =	wrdreg $0xFFFFFFFF  }
0x1f: {  	s28 =	simm.s32 $_size_execute0_lowered;
	s3 =	sadd.s32 s3, s5;
	[dreg:$0x0] =	wrdreg $0x0  }
0x20: {  	s5 =	sshll.u32 s28, $0x1;
	[dreg:$0x2] =	wrdreg s3  }
0x21: {  	[dreg:$0x3] =	wrdreg s5  }
0x22: {  	[dreg:$0x4] =	wrdreg $0xC0  }
0x23: {  	_ =	task [dreg:s7], $0x5FFFF  }
0x24: {  	[dreg:$0x1] =	wrdreg $0xFFFFFFFF  }
0x25: {  	[dreg:$0x0] =	wrdreg $0x60  }
0x26: {  	[dreg:$0x2] =	wrdreg s25  }
0x27: {  	[dreg:$0x3] =	wrdreg s2  }
0x28: {  	[dreg:$0x4] =	wrdreg $0x9  }
0x29: {  	_ =	task.clear_ibuf [dreg:s7], $0x5FFFF;
	_ =	strace $0x90000049  }
0x2a: {  	s29 =	simm.s32 $0x9;
	_ =	strace $0x8000004B  }
0x2b: {  	_ =	swait.ge [sflag:s29], $0x1  }
0x2c: {  	[sflag:s29] =	ssyncadd.s32 $0xFFFFFFFF  }
0x2d: {  	_ =	strace $0x9000004B  }
0x2e: {  	_ =	sfence  }
0x2f: {  	s30 =	sld [smem:$0x0];
	_ =	sdelay $0x2  }
0x30: {  	s31 =	sshll.u32 s1, $0xD;
	s1 =	sshrl.u32 s1, $0x2  }
0x31: {  	s3 =	sand.u32 $0x4000, s31;
	s1 =	sadd.s32 s1, s30  }
0x32: {  	s0 =	sor.u32 s3, s0;
	s1 =	sshll.u32 s1, $0x11  }
0x33: {  	s0 =	sor.u32 s1, s0  }
0x34: {  	s0 =	sadd.s32 $0x8F2B, s0  }
0x35: {  	[sflag:s0] =	ssyncadd.remote.s32 $0x1  }
0x36: {  	_ =	sfence.sel $0xFFFF  }
0x37: {  	[dreg:$0x0] =	wrdreg $0xFFFFFFFF;
	(pc) =	sbr.abs _section_cstart, $3  }
0x38: {  	[dreg:$0x1] =	wrdreg $0xFFFFFFFF  }
0x39: {  	_ =	task.clear_ibuf [dreg:s7], $0x2FFFF;
	_ =	strace $0x9FFFFFFF  }
0x3a: {  	(tm) =	ssettm $0x7FFFFFFF  }
0x3b: {  	_ =	shalt  }
tec
execute0_lowered:
.L_overlay_start_1:
0x0: {  	(tag) =	ssettag $0x1  }
0x1: {  	s0 =	srdreg.scid  }
0x2: {  	s1 =	sshll.u32 s0, $0x4  }
0x3: {  	s0 =	stileid.u32;
	s1 =	sand.u32 $0x10, s1  }
0x4: {  	s1 =	sor.u32 s0, s1  }
0x5: {  	s6 =	rddreg [dreg:$0x0];
	s4 =	simm.s32 $0x1;
	s2 =	sshll.u32 s1, $0x7  }
0x6: {  	s7 =	simm.s32 $0x2;
	s12 =	simm.s32 $0x0;
	s1 =	ssub.s32 $0x4000, s2  }
0x7: {  	s8 =	simm.s32 $0x20000;
	s13 =	simm.s32 $0x0;
	s3 =	sand.u32 $0xF80, s1  }
0x8: {  	s9 =	simm.s32 $0x0;
	s5 =	sshrl.u32 s1, $0xC;
	p0 =	sne.s32 s3, $0x0  }
.Ltmp0:
0x9: {  	s1 =	rddreg [dreg:$0x2];
	s4 =	simm.s32 @!p0 $0x0;
	(pc) =	sbr.rel .LBB1_1-.Ltmp0, $4  }
0xa: {  	s11 =	simm.s32 $0x0;
	s3 =	rddreg [dreg:$0x1];
	s5 =	sadd.s32 s4, s5  }
0xb: {  	_ =	strace $0x8000004A;
	s4 =	simm.s32 $0x1;
	s5 =	smul.u32 $0x32, s5  }
0xc: {  	s6 =	sadd.s32 $0xA00, s6;
	s10 =	smov.u32 s2;
	[sflag:s4] =	ssyncpa.u1 $0x0  }
0xd: {  	p0 =	por $0x0, $0x0;
	[sflag:s7] =	ssyncpa.u1 $0x0;
	s7 =	sor.u32 $0x1, s5  }
.LBB1_4:
0xe: {  	s16 =	sshll.u32 s13, $0x3;
	s17 =	sand.u32 $0x78, s13  }
0xf: {  	s30 =	sand.u32 $0xF800, s13;
	s12 =	sshll.u32 s12, $0x10;
	s16 =	sand.u32 $0x3C00, s16  }
0x10: {  	s31 =	sand.u32 $0x7, s13;
	s16 =	sor.u32 s17, s16;
	s17 =	sadd.s32 s3, s30  }
0x11: {  	s13 =	sshll.u32 s31, $0x12;
	s16 =	sshrl.u32 s16, $0x3;
	s12 =	sadd.s32 s12, s17  }
0x12: {  	[tilespmem:s15+$0x0 ss:$0x81] =	vst.msk $0xffff, v0;
	s13 =	sor.u32 $0x400, s13;
	s12 =	sadd.s32 s16, s12  }
0x13: {  	[hbm4b:s12+s13] =	stream.strided.scatter [tilespmem:s14], [sflag:$0x2], $0x1000, s8, s13, $0x20;
	[tilespmem:$0x4040] =	vst v63  }
.LBB1_5:
0x14: {  	s14 =	sadd.s32 $0x1, s9  }
0x15: {  	s12 =	sadd.s32 $0x1000, s10;
	s16 =	smov.u32 s10;
	p2 =	sgt.s32 s14, $0x31  }
0x16: {  	s16 =	smov.u32 @p2 s12  }
0x17: {  	s14 =	simm.s32 @p2 $0x0;
	p2 =	sgt.s32 s16, $0x3FFF  }
0x18: {  	s16 =	smov.u32 @p2 s2;
	p2 =	sne.s32 s11, s7  }
.Ltmp1:
0x19: {  	p1 =	slt.u32 s11, $0x2;
	(pc) =	sbr.rel @!p2 .LBB1_6-.Ltmp1, $4  }
0x1a: {  	s15 =	simm.s32 @!p1 $0x2  }
0x1b: {  	s13 =	smov.u32 s10;
	p0 =	por !p0, !p0;
	_ =	swait.ge @!p1 [sflag:s15], $0x1000  }
0x1c: {  	s12 =	smov.u32 s9;
	[sflag:s15] =	ssyncset.done @!p1 $0x0;
	s9 =	smov.u32 s14  }
0x1d: {  	s11 =	sadd.s32 $0x1, s11;
	[sflag:s15] =	ssyncadd.s32 @!p1 $0xFFFFF000;
	s10 =	smov.u32 s16  }
.LBB1_1:
0x1e: {  	p1 =	sge.u32 s11, s5  }
0x1f: {  	s14 =	sand.u32 @!p1 $0x1FFFFFF, s9  }
0x20: {  	s15 =	smulhi.u32 @!p1 $0x4924925, s14;
	_ =	sdelay $0x1  }
0x21: {  	s15 =	smul.u32 @!p1 $0x38, s15  }
0x22: {  	s16 =	sxor.u32 @!p1 $0xFFFFFFFF, s11;
	s17 =	smul.u32 @!p1 $0x380, s10  }
0x23: {  	s31 =	sadd.s32 $0xFFFFFFFF, s11;
	s16 =	sshll.u32 @!p1 s16, $0xC;
	s14 =	ssub.s32 @!p1 s14, s15  }
0x24: {  	s15 =	sand.u32 @!p1 $0x1000, s16;
	s16 =	sadd.s32 @!p1 s6, s17;
	s14 =	sshll.u32 @!p1 s14, $0x4  }
0x25: {  	s17 =	simm.s32 @!p1 $0x1C00;
	s14 =	sadd.s32 @!p1 s14, s16;
	s16 =	simm.s32 @!p1 $0x20  }
0x26: {  	[tilespmem:s15], [sflag:$0x1] =	stream.strided.gather @!p1 [hbm4b:s14+s16], $0x1000, s17, s16, $0x38;
	[tilespmem:$0x4040] =	vst v63  }
0x27: {  	p1 =	sge.u32 s31, s5  }
.Ltmp2:
0x28: {  	_ = 	snop;
	(pc) =	sbr.rel @p1 .LBB1_5-.Ltmp2, $1  }
0x29: {  	_ =	sdelay $0x3  }
0x2a: {  	s14 =	simm.s32 $0x1  }
0x2b: {  	_ =	swait.ge [sflag:s4], $0x1000;
	s14 =	simm.s32 @!p0 $0x0  }
0x2c: {  	[sflag:s4] =	ssyncset.done $0x0;
	s15 =	sshll.u32 s14, $0xC  }
0x2d: {  	[sflag:s4] =	ssyncadd.s32 $0xFFFFF000;
	s18 =	sor.u32 $0x10, s15  }
0x2e: {  	s14 =	smul.u32 $0x4080, s14;
	v1 =	vld [tilespmem:s18+$0x0]  }
0x2f: {  	s30 =	sand.u32 $0x1, s11;
	v0 =	vld [tilespmem:s18+$0xFFFFFFF0]  }
0x30: {  	s15 =	smul.u32 $0x4080, s30;
	s14 =	sshrl.u32 s14, $0x2  }
0x31: {  	s16 =	sor.u32 $0x2000, s14  }
0x32: {  	s31 =	sshrl.u32 s15, $0x2;
	s15 =	sadd.s32 $0x0, s16  }
0x33: {  	s17 =	simm.s32 $0x4;
	s18 =	sadd.s32 $0x20, s18;
	s14 =	sor.u32 $0x2000, s31;
	[tilespmem:s15+$0x810 ss:$0x81] =	vst.msk $0xffff, v1  }
.LBB1_3:
0x34: {  	v1 =	vld [tilespmem:s18+$0x0];
	p1 =	sne.s32 s17, $0x1FC;
	[tilespmem:s15+$0x0 ss:$0x81] =	vst.msk $0xffff, v0;
	s15 =	smov.u32 s17;
	s17 =	sadd.s32 $0x4, s17  }
.Ltmp3:
0x35: {  	v0 =	vld [tilespmem:s18+$0xFFFFFFF0];
	(pc) =	sbr.rel @p1 .LBB1_3-.Ltmp3, $4  }
0x36: {  	_ = 	snop  }
0x37: {  	s15 =	sshra.s32 s15, $0x2  }
0x38: {  	s15 =	sadd.s32 s15, s16  }
0x39: {  	s18 =	sadd.s32 $0x20, s18;
	[tilespmem:s15+$0x810 ss:$0x81] =	vst.msk $0xffff, v1  }
.Ltmp4:
0x3a: {  	_ = 	snop;
	(pc) =	sbr.rel .LBB1_4-.Ltmp4, $1  }
0x3b: {  	_ =	sdelay $0x3  }
.LBB1_6:
0x3c: {  	_ =	sfence.sel $0x180000  }
0x3d: {  	s2 =	simm.s32 $0x1;
	[bflag:$0x0] =	sbarrier.arrive $0xFFFF  }
0x3e: {  	s31 =	simm.s32 $0x2;
	[sflag:s2] =	ssyncpa.u1 $0x1  }
0x3f: {  	[sflag:s31] =	ssyncpa.u1 $0x1  }
0x40: {  	p0 =	sne.s32 s0, $0x0;
	_ =	strace $0x9000004A  }
0x41: {  	s0 =	sadd.s32 @!p0 $0x100000, s1;
	[bflag:$0x2] =	sbarrier.arrive $0xFFFF  }
0x42: {  	[sflag:s0] =	ssyncadd.tile.s32 @!p0 $0x1;
	_ =	shalt  }
.Lfunc_end1:
_tile_overlayer_lowered:
.L_overlay_start_2:
0x43: {  	(tag) =	ssettag $0x2  }
0x44: {  	s0 =	rddreg [dreg:$0x0];
	s2 =	stileid.u32  }
0x45: {  	s1 =	rddreg [dreg:$0x1];
	p0 =	sne.s32 s2, $0x0  }
0x46: {  	s3 =	rddreg [dreg:$0x2];
	[bflag:$0x3] =	sbarrier.arrive $0xFFFF;
	s2 =	simm.s32 @!p0 $0x1C01  }
0x47: {  	[timem:s3], [sflag:s2] =	dma.local @!p0 [hbm:s0], s1  }
0x48: {  	s0 =	simm.s32 @!p0 $0x1  }
0x49: {  	_ =	swait.ge @!p0 [sflag:s0], s1  }
0x4a: {  	s1 =	ssub.s32 @!p0 $0x0, s1;
	[sflag:s0] =	ssyncset.done @!p0 $0x0  }
0x4b: {  	[sflag:s0] =	ssyncadd.s32 @!p0 s1  }
0x4c: {  	[bflag:$0x3] =	sbarrier.arrive $0xFFFF  }
0x4d: {  	_ =	shalt  }

</sc_bundles>
